<compile_context>
chip_gen: v7x
topology: tpu7x:2x2x1
jax: 0.10.2.dev20260603
libtpu: 0.0.44.dev20260713+nightly
codegen_flags: <defaults>
</compile_context>

<pallas_src>
import functools

import jax
import jax.numpy as jnp
from jax import lax
from jax.experimental import pallas as pl
from jax.experimental.pallas import tpu as pltpu
from jax.experimental.pallas import tpu_sc as plsc

N = 10000
E = 320000
D = 128
N_PAD = 10240
NC = 2
NS = 16
NW = NC * NS
BLK = 128
E_PAD = 327680
EPW = E_PAD // NW
NBLK = EPW // BLK
NBLK2 = E_PAD // (NS * BLK)
RPT = N_PAD // NS
NM = 10016
RPM = NM // NS
DH = D // 2
NBUF = 4
NG = 2

_mesh = plsc.VectorSubcoreMesh(core_axis_name="c", subcore_axis_name="s")
_sc_params = pltpu.CompilerParams(needs_layout_passes=False,
                                  use_tc_tiling_on_sc=False)


@functools.partial(
    pl.kernel,
    out_type=(jax.ShapeDtypeStruct((NW, N_PAD), jnp.float32),
              jax.ShapeDtypeStruct((NW, N_PAD), jnp.float32)),
    mesh=_mesh,
    scratch_types=[
        pltpu.VMEM((NBLK, BLK), jnp.int32),
        pltpu.VMEM((NBLK, BLK), jnp.int32),
        pltpu.VMEM((N_PAD,), jnp.float32),
        pltpu.VMEM((N_PAD,), jnp.float32),
    ],
    compiler_params=_sc_params,
)
def _deg_kernel(src_hbm, dst_hbm, do_hbm, di_hbm, src_v, dst_v, acc_s, acc_d):
    c = lax.axis_index("c")
    s = lax.axis_index("s")
    wid = s * NC + c
    pltpu.sync_copy(src_hbm.at[wid], src_v)
    pltpu.sync_copy(dst_hbm.at[wid], dst_v)
    zeros16 = jnp.zeros((16,), jnp.float32)

    def zbody(i, carry):
        acc_s[pl.ds(i * 16, 16)] = zeros16
        acc_d[pl.ds(i * 16, 16)] = zeros16
        return carry

    lax.fori_loop(0, N_PAD // 16, zbody, 0)
    ones16 = jnp.ones((16,), jnp.float32)

    def jbody(j, carry):
        def kbody(k, inner):
            si = src_v[j, pl.ds(k * 16, 16)]
            plsc.addupdate_scatter(acc_s, [si], ones16)
            di = dst_v[j, pl.ds(k * 16, 16)]
            plsc.addupdate_scatter(acc_d, [di], ones16)
            return inner

        return lax.fori_loop(0, BLK // 16, kbody, carry)

    lax.fori_loop(0, NBLK, jbody, 0)
    pltpu.sync_copy(acc_s, do_hbm.at[wid])
    pltpu.sync_copy(acc_d, di_hbm.at[wid])


@functools.partial(
    pl.kernel,
    out_type=jax.ShapeDtypeStruct((NW, N_PAD), jnp.float32),
    mesh=_mesh,
    scratch_types=[
        pltpu.VMEM((NBLK, BLK), jnp.int32),
        pltpu.VMEM((NBLK, BLK), jnp.int32),
        pltpu.VMEM((N_PAD,), jnp.float32),
        pltpu.VMEM((N_PAD,), jnp.float32),
    ],
    compiler_params=_sc_params,
)
def _w_kernel(src_hbm, dst_hbm, nd_hbm, w_hbm, src_v, dst_v, ndl, wacc):
    c = lax.axis_index("c")
    s = lax.axis_index("s")
    wid = s * NC + c
    pltpu.sync_copy(src_hbm.at[wid], src_v)
    pltpu.sync_copy(dst_hbm.at[wid], dst_v)
    pltpu.sync_copy(nd_hbm, ndl)
    zeros16 = jnp.zeros((16,), jnp.float32)

    def zbody(i, carry):
        wacc[pl.ds(i * 16, 16)] = zeros16
        return carry

    lax.fori_loop(0, N_PAD // 16, zbody, 0)

    def jbody(j, carry):
        def kbody(k, inner):
            d16 = dst_v[j, pl.ds(k * 16, 16)]
            vals = plsc.load_gather(ndl, [d16])
            s16 = src_v[j, pl.ds(k * 16, 16)]
            plsc.addupdate_scatter(wacc, [s16], vals)
            return inner

        return lax.fori_loop(0, BLK // 16, kbody, carry)

    lax.fori_loop(0, NBLK, jbody, 0)
    pltpu.sync_copy(wacc, w_hbm.at[wid])


@functools.partial(
    pl.kernel,
    out_type=jax.ShapeDtypeStruct((NC, NG, N_PAD, DH), jnp.bfloat16),
    mesh=_mesh,
    scratch_types=[
        pltpu.VMEM((NBLK2, BLK), jnp.int32),
        pltpu.VMEM((NBLK2, BLK), jnp.int32),
        pltpu.VMEM((NBUF, BLK, DH), jnp.bfloat16),
        pltpu.VMEM_SHARED((NG, N_PAD, DH), jnp.bfloat16),
        pltpu.VMEM_SHARED((NM, DH), jnp.bfloat16),
    ] + [pltpu.SemaphoreType.DMA] * (2 * NBUF),
    compiler_params=_sc_params,
)
def _scatter_kernel(m0_hbm, m1_hbm, src_hbm, dst_hbm, z_hbm,
                    agg_hbm,
                    src_v, dst_v, rows_all, agg_sh, m_sh, *sems):
    c = lax.axis_index("c")
    s = lax.axis_index("s")
    rows = [rows_all.at[b] for b in range(NBUF)]
    gsem = list(sems[:NBUF])
    ssem = list(sems[NBUF:])
    m_hbm = [m0_hbm, m1_hbm]
    pltpu.sync_copy(src_hbm.at[s], src_v)
    pltpu.sync_copy(dst_hbm.at[s], dst_v)
    for ci in range(NC):
        @pl.when(c == ci)
        def _():
            pltpu.sync_copy(m_hbm[ci].at[pl.ds(s * RPT, RPT)],
                            agg_sh.at[0, pl.ds(s * RPT, RPT)])
            pltpu.sync_copy(m_hbm[ci].at[pl.ds(s * RPM, RPM)],
                            m_sh.at[pl.ds(s * RPM, RPM)])
    for gi in range(1, NG):
        pltpu.sync_copy(z_hbm, agg_sh.at[gi, pl.ds(s * RPT, RPT)])
    plsc.subcore_barrier()

    for b in range(NBUF):
        pltpu.async_copy(m_sh.at[src_v.at[b]], rows[b], gsem[b])

    def gbody(g, carry):
        for b in range(NBUF):
            j = NBUF * g + b
            pltpu.make_async_copy(m_sh.at[src_v.at[j]], rows[b],
                                  gsem[b]).wait()
            sdesc = pltpu.async_copy(rows[b],
                                     agg_sh.at[s % NG].at[dst_v.at[j]],
                                     ssem[b], add=True)
            sdesc.wait()
            @pl.when(j + NBUF < NBLK2)
            def _():
                pltpu.async_copy(m_sh.at[src_v.at[j + NBUF]],
                                 rows[b], gsem[b])
        return carry

    lax.fori_loop(0, NBLK2 // NBUF, gbody, 0)
    plsc.subcore_barrier()
    for gi in range(NG):
        pltpu.sync_copy(agg_sh.at[gi, pl.ds(s * RPT, RPT)],
                        agg_hbm.at[c, gi, pl.ds(s * RPT, RPT)])


def _col_sum(parts_blk):
    ones = jnp.ones((NW, 1), jnp.float32)
    return lax.dot_general(parts_blk, ones, (((0,), (0,)), ((), ())),
                           preferred_element_type=jnp.float32)


def _matmul(x_pad, do_parts, di_parts, W1):
    RB = 256

    def body(x_ref, do_ref, di_ref, w_ref, o0_ref, o1_ref, nd_ref):
        ns_col = lax.rsqrt(_col_sum(do_ref[...]) + 1.0)
        nd_ref[...] = lax.rsqrt(
            jnp.sum(di_ref[...], axis=0, keepdims=True) + 1.0)
        m = jnp.dot(x_ref[...] * ns_col, w_ref[...],
                    preferred_element_type=jnp.float32)
        o0_ref[...] = m[:, :DH].astype(jnp.bfloat16)
        o1_ref[...] = m[:, DH:].astype(jnp.bfloat16)

    return pl.pallas_call(
        body,
        grid=(N_PAD // RB,),
        in_specs=[pl.BlockSpec((RB, D), lambda i: (i, 0)),
                  pl.BlockSpec((NW, RB), lambda i: (0, i)),
                  pl.BlockSpec((NW, RB), lambda i: (0, i)),
                  pl.BlockSpec((D, D), lambda i: (0, 0))],
        out_specs=[pl.BlockSpec((RB, DH), lambda i: (i, 0)),
                   pl.BlockSpec((RB, DH), lambda i: (i, 0)),
                   pl.BlockSpec((1, RB), lambda i: (0, i))],
        out_shape=[jax.ShapeDtypeStruct((N_PAD, DH), jnp.bfloat16),
                   jax.ShapeDtypeStruct((N_PAD, DH), jnp.bfloat16),
                   jax.ShapeDtypeStruct((1, N_PAD), jnp.float32)],
    )(x_pad, do_parts, di_parts, W1)


def _final(agg, do_parts, di_parts, w_parts, b1r, W2, b2r):
    RB = 256

    def body(agg_ref, do_ref, di_ref, wp_ref, b1_ref,
             w2_ref, b2_ref, out_ref, s_acc):
        i = pl.program_id(0)

        @pl.when(i == 0)
        def _():
            s_acc[...] = jnp.zeros_like(s_acc)

        nd_col = lax.rsqrt(_col_sum(di_ref[...]) + 1.0)
        ns_row = lax.rsqrt(
            jnp.sum(do_ref[...], axis=0, keepdims=True) + 1.0)
        nd_row = lax.rsqrt(
            jnp.sum(di_ref[...], axis=0, keepdims=True) + 1.0)
        halves = []
        for ci in range(NC):
            acc = agg_ref[ci, 0].astype(jnp.float32)
            for gi in range(1, NG):
                acc = acc + agg_ref[ci, gi].astype(jnp.float32)
            halves.append(acc)
        a = jnp.concatenate(halves, axis=1)
        h1 = jnp.maximum(a * nd_col + b1_ref[...], 0.0)
        wrow = ns_row * (jnp.sum(wp_ref[...], axis=0, keepdims=True)
                         + nd_row)
        s_acc[...] += jnp.dot(wrow, h1, preferred_element_type=jnp.float32)

        @pl.when(i == pl.num_programs(0) - 1)
        def _():
            out_ref[...] = jnp.dot(s_acc[...] * (1.0 / N), w2_ref[...],
                                   preferred_element_type=jnp.float32) + b2_ref[...]

    return pl.pallas_call(
        body,
        grid=(N_PAD // RB,),
        in_specs=[pl.BlockSpec((NC, NG, RB, DH), lambda i: (0, 0, i, 0)),
                  pl.BlockSpec((NW, RB), lambda i: (0, i)),
                  pl.BlockSpec((NW, RB), lambda i: (0, i)),
                  pl.BlockSpec((NW, RB), lambda i: (0, i)),
                  pl.BlockSpec((1, D), lambda i: (0, 0)),
                  pl.BlockSpec((D, 2), lambda i: (0, 0)),
                  pl.BlockSpec((1, 2), lambda i: (0, 0))],
        out_specs=pl.BlockSpec((1, 2), lambda i: (0, 0)),
        out_shape=jax.ShapeDtypeStruct((1, 2), jnp.float32),
        scratch_shapes=[pltpu.VMEM((1, D), jnp.float32)],
    )(agg, do_parts, di_parts, w_parts, b1r, W2, b2r)


def kernel(x, edge_index, W1, b1, W2, b2):
    src = edge_index[0]
    dst = edge_index[1]
    pad = E_PAD - E
    srcp = jnp.concatenate(
        [src, jnp.full((pad,), N, jnp.int32)]).reshape(NW, NBLK, BLK)
    dstp = jnp.concatenate(
        [dst, jnp.full((pad,), N, jnp.int32)]).reshape(NW, NBLK, BLK)

    srcp2 = srcp.reshape(NS, NBLK2, BLK)
    dstp2 = dstp.reshape(NS, NBLK2, BLK)

    do_parts, di_parts = _deg_kernel(srcp, dstp)

    x_pad = jnp.pad(x, ((0, N_PAD - N), (0, 0)))
    M0, M1, nd_row = _matmul(x_pad, do_parts, di_parts, W1)

    w_parts = _w_kernel(srcp, dstp, nd_row.reshape(N_PAD))
    zrows = jnp.zeros((RPT, DH), jnp.bfloat16)
    agg = _scatter_kernel(M0, M1, srcp2, dstp2, zrows)

    out = _final(agg, do_parts, di_parts, w_parts,
                 b1.reshape(1, D), W2, b2.reshape(1, 2))
    return out

# --- scband reference (transcript-rebuilt; emitter-appended) ---
"""Pipeline reference for scband-gcn-2276332667312 (READ-ONLY COPY).

The authoritative reference and input builder live on the scoring server;
editing this copy changes nothing except your own understanding.
"""

import jax, jax.numpy as jnp
import numpy as np

N = 10000
E = 320000
D_IN = 128
D_H = 128
N_CLASSES = 2


def setup_inputs(seed: int = 0) -> dict:
    key = jax.random.key(seed)
    k1, k2, k3, k4 = jax.random.split(key, 4)
    x = jax.random.normal(k1, (N, D_IN), dtype=jnp.float32)
    edge_index = jax.random.randint(k2, (2, E), 0, N, dtype=jnp.int32)
    # GraphConv layer 1 params (glorot-ish init)
    W1 = jax.random.normal(k3, (D_IN, D_H), dtype=jnp.float32) * (1.0 / np.sqrt(D_IN))
    b1 = jnp.zeros((D_H,), dtype=jnp.float32)
    # GraphConv layer 2 params
    W2 = jax.random.normal(k4, (D_H, N_CLASSES), dtype=jnp.float32) * (1.0 / np.sqrt(D_H))
    b2 = jnp.zeros((N_CLASSES,), dtype=jnp.float32)
    return {"x": x, "edge_index": edge_index, "W1": W1, "b1": b1, "W2": W2, "b2": b2}


def reference(x, edge_index, W1, b1, W2, b2):
    n = x.shape[0]
    src = edge_index[0]
    dst = edge_index[1]
    # dgl.add_self_loop(g)
    loop = jnp.arange(n, dtype=src.dtype)
    src = jnp.concatenate([src, loop])
    dst = jnp.concatenate([dst, loop])
    # symmetric ('both') normalization as in dgl.nn.GraphConv default
    deg_out = jnp.bincount(src, length=n).astype(x.dtype)
    deg_in = jnp.bincount(dst, length=n).astype(x.dtype)
    norm_src = jnp.where(deg_out > 0, deg_out ** -0.5, 0.0)
    norm_dst = jnp.where(deg_in > 0, deg_in ** -0.5, 0.0)

    def graph_conv(h, W, b):
        h = h @ W
        msg = h[src] * norm_src[src][:, None]
        agg = jnp.zeros((n, h.shape[1]), dtype=h.dtype).at[dst].add(msg)
        return agg * norm_dst[:, None] + b

    h = graph_conv(x, W1, b1)
    h = jax.nn.relu(h)
    h = graph_conv(h, W2, b2)
    # dgl.mean_nodes over a single graph -> [1, num_classes]
    return jnp.mean(h, axis=0, keepdims=True)

if __name__ == "__main__":
    import jax
    _d = setup_inputs()
    print(jax.jit(kernel)(*tuple(_d.values())))

</pallas_src>

<mosaic_0001>
#map = affine_map<(d0, d1) -> (0, 0, 0)>
#map1 = affine_map<(d0, d1) -> (0)>
#map2 = affine_map<(d0, d1) -> (0, 0)>
module attributes {stable_mosaic.version = 14 : i64} {
  func.func @_w_kernel(%arg0: i32, %arg1: i32, %arg2: memref<32x80x128xi32, #tpu.memory_space<hbm>>, %arg3: memref<32x80x128xi32, #tpu.memory_space<hbm>>, %arg4: memref<10240xf32, #tpu.memory_space<hbm>>, %arg5: memref<32x10240xf32, #tpu.memory_space<hbm>>, %arg6: memref<80x128xi32, #tpu.memory_space<vmem>>, %arg7: memref<80x128xi32, #tpu.memory_space<vmem>>, %arg8: memref<10240xf32, #tpu.memory_space<vmem>>, %arg9: memref<10240xf32, #tpu.memory_space<vmem>>) attributes {dimension_semantics = [#tpu.dimension_semantics<core_parallel>, #tpu.dimension_semantics<subcore_parallel>], iteration_bounds = array<i64: 2, 16>, scalar_prefetch = 0 : i64, scratch_operands = 4 : i64, tpu.core_type = #tpu.core_type<sc_vector_subcore>, window_params = [{transform_indices = #map}, {transform_indices = #map}, {transform_indices = #map1}, {transform_indices = #map2}]} {
    %mul3A = arith.constant 2 : i32
    %mul3A_0 = arith.muli %arg1, %mul3A : i32
    %add3A = arith.addi %mul3A_0, %arg0 : i32
    "tpu.region"() ({
      %run_scoped3A = tpu.sem_alloc : memref<!tpu.dma_semaphore, #tpu.memory_space<semaphore_mem>>
      %dma_start3A = arith.constant 0 : i32
      %dma_start3A_13 = arith.constant 0 : i32
      %dma_start3A_14 = tpu.memref_slice %arg2[%add3A, %dma_start3A, %dma_start3A_13] : memref<32x80x128xi32, #tpu.memory_space<hbm>> -> memref<1x80x128xi32, #tpu.memory_space<hbm>>
      %dma_start3A_15 = tpu.memref_squeeze %dma_start3A_14 : memref<1x80x128xi32, #tpu.memory_space<hbm>> -> memref<80x128xi32, #tpu.memory_space<hbm>>
      %dma_start3A_16 = arith.constant 0 : i32
      %dma_start3A_17 = arith.constant 0 : i32
      %dma_start3A_18 = tpu.memref_slice %arg2[%add3A, %dma_start3A_16, %dma_start3A_17] : memref<32x80x128xi32, #tpu.memory_space<hbm>> -> memref<1x80x128xi32, #tpu.memory_space<hbm>>
      %dma_start3A_19 = tpu.memref_squeeze %dma_start3A_18 : memref<1x80x128xi32, #tpu.memory_space<hbm>> -> memref<80x128xi32, #tpu.memory_space<hbm>>
      tpu.enqueue_dma source(%dma_start3A_19 : memref<80x128xi32, #tpu.memory_space<hbm>>) target(%arg6 : memref<80x128xi32, #tpu.memory_space<vmem>>) target_semaphore(%run_scoped3A : memref<!tpu.dma_semaphore, #tpu.memory_space<semaphore_mem>>)
      %dma_wait3A = arith.constant 0 : i32
      %dma_wait3A_20 = arith.constant 0 : i32
      %dma_wait3A_21 = tpu.memref_slice %arg2[%add3A, %dma_wait3A, %dma_wait3A_20] : memref<32x80x128xi32, #tpu.memory_space<hbm>> -> memref<1x80x128xi32, #tpu.memory_space<hbm>>
      %dma_wait3A_22 = tpu.memref_squeeze %dma_wait3A_21 : memref<1x80x128xi32, #tpu.memory_space<hbm>> -> memref<80x128xi32, #tpu.memory_space<hbm>>
      %dma_wait3A_23 = arith.constant 0 : i32
      %dma_wait3A_24 = arith.constant 0 : i32
      %dma_wait3A_25 = tpu.memref_slice %arg2[%add3A, %dma_wait3A_23, %dma_wait3A_24] : memref<32x80x128xi32, #tpu.memory_space<hbm>> -> memref<1x80x128xi32, #tpu.memory_space<hbm>>
      %dma_wait3A_26 = tpu.memref_squeeze %dma_wait3A_25 : memref<1x80x128xi32, #tpu.memory_space<hbm>> -> memref<80x128xi32, #tpu.memory_space<hbm>>
      tpu.wait_dma2 semaphore(%run_scoped3A : memref<!tpu.dma_semaphore, #tpu.memory_space<semaphore_mem>>) src(%dma_wait3A_26 : memref<80x128xi32, #tpu.memory_space<hbm>>) dst(%arg6 : memref<80x128xi32, #tpu.memory_space<vmem>>)
      tpu.yield
    }) : () -> ()
    "tpu.region"() ({
      %run_scoped3A = tpu.sem_alloc : memref<!tpu.dma_semaphore, #tpu.memory_space<semaphore_mem>>
      %dma_start3A = arith.constant 0 : i32
      %dma_start3A_13 = arith.constant 0 : i32
      %dma_start3A_14 = tpu.memref_slice %arg3[%add3A, %dma_start3A, %dma_start3A_13] : memref<32x80x128xi32, #tpu.memory_space<hbm>> -> memref<1x80x128xi32, #tpu.memory_space<hbm>>
      %dma_start3A_15 = tpu.memref_squeeze %dma_start3A_14 : memref<1x80x128xi32, #tpu.memory_space<hbm>> -> memref<80x128xi32, #tpu.memory_space<hbm>>
      %dma_start3A_16 = arith.constant 0 : i32
      %dma_start3A_17 = arith.constant 0 : i32
      %dma_start3A_18 = tpu.memref_slice %arg3[%add3A, %dma_start3A_16, %dma_start3A_17] : memref<32x80x128xi32, #tpu.memory_space<hbm>> -> memref<1x80x128xi32, #tpu.memory_space<hbm>>
      %dma_start3A_19 = tpu.memref_squeeze %dma_start3A_18 : memref<1x80x128xi32, #tpu.memory_space<hbm>> -> memref<80x128xi32, #tpu.memory_space<hbm>>
      tpu.enqueue_dma source(%dma_start3A_19 : memref<80x128xi32, #tpu.memory_space<hbm>>) target(%arg7 : memref<80x128xi32, #tpu.memory_space<vmem>>) target_semaphore(%run_scoped3A : memref<!tpu.dma_semaphore, #tpu.memory_space<semaphore_mem>>)
      %dma_wait3A = arith.constant 0 : i32
      %dma_wait3A_20 = arith.constant 0 : i32
      %dma_wait3A_21 = tpu.memref_slice %arg3[%add3A, %dma_wait3A, %dma_wait3A_20] : memref<32x80x128xi32, #tpu.memory_space<hbm>> -> memref<1x80x128xi32, #tpu.memory_space<hbm>>
      %dma_wait3A_22 = tpu.memref_squeeze %dma_wait3A_21 : memref<1x80x128xi32, #tpu.memory_space<hbm>> -> memref<80x128xi32, #tpu.memory_space<hbm>>
      %dma_wait3A_23 = arith.constant 0 : i32
      %dma_wait3A_24 = arith.constant 0 : i32
      %dma_wait3A_25 = tpu.memref_slice %arg3[%add3A, %dma_wait3A_23, %dma_wait3A_24] : memref<32x80x128xi32, #tpu.memory_space<hbm>> -> memref<1x80x128xi32, #tpu.memory_space<hbm>>
      %dma_wait3A_26 = tpu.memref_squeeze %dma_wait3A_25 : memref<1x80x128xi32, #tpu.memory_space<hbm>> -> memref<80x128xi32, #tpu.memory_space<hbm>>
      tpu.wait_dma2 semaphore(%run_scoped3A : memref<!tpu.dma_semaphore, #tpu.memory_space<semaphore_mem>>) src(%dma_wait3A_26 : memref<80x128xi32, #tpu.memory_space<hbm>>) dst(%arg7 : memref<80x128xi32, #tpu.memory_space<vmem>>)
      tpu.yield
    }) : () -> ()
    "tpu.region"() ({
      %run_scoped3A = tpu.sem_alloc : memref<!tpu.dma_semaphore, #tpu.memory_space<semaphore_mem>>
      tpu.enqueue_dma source(%arg4 : memref<10240xf32, #tpu.memory_space<hbm>>) target(%arg8 : memref<10240xf32, #tpu.memory_space<vmem>>) target_semaphore(%run_scoped3A : memref<!tpu.dma_semaphore, #tpu.memory_space<semaphore_mem>>)
      tpu.wait_dma2 semaphore(%run_scoped3A : memref<!tpu.dma_semaphore, #tpu.memory_space<semaphore_mem>>) src(%arg4 : memref<10240xf32, #tpu.memory_space<hbm>>) dst(%arg8 : memref<10240xf32, #tpu.memory_space<vmem>>)
      tpu.yield
    }) : () -> ()
    %broadcast_in_dim3A = arith.constant 0.000000e+00 : f32
    %broadcast_in_dim3A_1 = vector.broadcast %broadcast_in_dim3A : f32 to vector<16xf32>
    %scan3A = arith.constant 0 : i32
    %scan3A_2 = arith.constant 0 : i32
    %scan3A_3 = arith.constant 640 : i32
    %scan3A_4 = arith.addi %scan3A_2, %scan3A_3 : i32
    %scan3A_5 = arith.constant 1 : i32
    scf.for %scan3A_13 = %scan3A_2 to %scan3A_4 step %scan3A_5  : i32 {
      %mul3A_14 = arith.constant 16 : i32
      %mul3A_15 = arith.muli %scan3A_13, %mul3A_14 : i32
      %swap3A = arith.index_cast %mul3A_15 : i32 to index
      %swap3A_16 = tpu.vector_load %arg9[%swap3A] {strides = array<i32>} : memref<10240xf32, #tpu.memory_space<vmem>>, vector<16xf32>,
      tpu.vector_store %arg9[%swap3A], %broadcast_in_dim3A_1 {strides = array<i32>} : memref<10240xf32, #tpu.memory_space<vmem>>, vector<16xf32>,
    }
    %scan3A_6 = arith.constant 640 : i32
    %scan3A_7 = arith.constant 0 : i32
    %scan3A_8 = arith.constant 0 : i32
    %scan3A_9 = arith.constant 80 : i32
    %scan3A_10 = arith.addi %scan3A_8, %scan3A_9 : i32
    %scan3A_11 = arith.constant 1 : i32
    scf.for %scan3A_13 = %scan3A_8 to %scan3A_10 step %scan3A_11  : i32 {
      %scan3A_14 = arith.constant 0 : i32
      %scan3A_15 = arith.constant 8 : i32
      %scan3A_16 = arith.addi %scan3A_14, %scan3A_15 : i32
      %scan3A_17 = arith.constant 1 : i32
      scf.for %scan3A_19 = %scan3A_14 to %scan3A_16 step %scan3A_17  : i32 {
        %mul3A_20 = arith.constant 16 : i32
        %mul3A_21 = arith.muli %scan3A_19, %mul3A_20 : i32
        %get3A = arith.index_cast %scan3A_13 : i32 to index
        %get3A_22 = arith.index_cast %mul3A_21 : i32 to index
        %get3A_23 = tpu.vector_load %arg7[%get3A, %get3A_22] {strides = array<i32>} : memref<80x128xi32, #tpu.memory_space<vmem>>, vector<16xi32>,
        %gather3A = tpu.vector_load_idx %arg8[%get3A_23] : memref<10240xf32, #tpu.memory_space<vmem>>[vector<16xi32>], vector<16xf32>,
        %mul3A_24 = arith.constant 16 : i32
        %mul3A_25 = arith.muli %scan3A_19, %mul3A_24 : i32
        %get3A_26 = arith.index_cast %scan3A_13 : i32 to index
        %get3A_27 = arith.index_cast %mul3A_25 : i32 to index
        %get3A_28 = tpu.vector_load %arg6[%get3A_26, %get3A_27] {strides = array<i32>} : memref<80x128xi32, #tpu.memory_space<vmem>>, vector<16xi32>,
        tpu.vector_store_idx %arg9[%get3A_28], %gather3A {add = true} : memref<10240xf32, #tpu.memory_space<vmem>>[vector<16xi32>], vector<16xf32>,
      }
      %scan3A_18 = arith.constant 8 : i32
    }
    %scan3A_12 = arith.constant 80 : i32
    "tpu.region"() ({
      %run_scoped3A = tpu.sem_alloc : memref<!tpu.dma_semaphore, #tpu.memory_space<semaphore_mem>>
      %dma_start3A = arith.constant 0 : i32
      %dma_start3A_13 = tpu.memref_slice %arg5[%add3A, %dma_start3A] : memref<32x10240xf32, #tpu.memory_space<hbm>> -> memref<1x10240xf32, #tpu.memory_space<hbm>>
      %dma_start3A_14 = tpu.memref_squeeze %dma_start3A_13 : memref<1x10240xf32, #tpu.memory_space<hbm>> -> memref<10240xf32, #tpu.memory_space<hbm>>
      %dma_start3A_15 = arith.constant 0 : i32
      %dma_start3A_16 = tpu.memref_slice %arg5[%add3A, %dma_start3A_15] : memref<32x10240xf32, #tpu.memory_space<hbm>> -> memref<1x10240xf32, #tpu.memory_space<hbm>>
      %dma_start3A_17 = tpu.memref_squeeze %dma_start3A_16 : memref<1x10240xf32, #tpu.memory_space<hbm>> -> memref<10240xf32, #tpu.memory_space<hbm>>
      tpu.enqueue_dma source(%arg9 : memref<10240xf32, #tpu.memory_space<vmem>>) target(%dma_start3A_17 : memref<10240xf32, #tpu.memory_space<hbm>>) target_semaphore(%run_scoped3A : memref<!tpu.dma_semaphore, #tpu.memory_space<semaphore_mem>>)
      %dma_wait3A = arith.constant 0 : i32
      %dma_wait3A_18 = tpu.memref_slice %arg5[%add3A, %dma_wait3A] : memref<32x10240xf32, #tpu.memory_space<hbm>> -> memref<1x10240xf32, #tpu.memory_space<hbm>>
      %dma_wait3A_19 = tpu.memref_squeeze %dma_wait3A_18 : memref<1x10240xf32, #tpu.memory_space<hbm>> -> memref<10240xf32, #tpu.memory_space<hbm>>
      %dma_wait3A_20 = arith.constant 0 : i32
      %dma_wait3A_21 = tpu.memref_slice %arg5[%add3A, %dma_wait3A_20] : memref<32x10240xf32, #tpu.memory_space<hbm>> -> memref<1x10240xf32, #tpu.memory_space<hbm>>
      %dma_wait3A_22 = tpu.memref_squeeze %dma_wait3A_21 : memref<1x10240xf32, #tpu.memory_space<hbm>> -> memref<10240xf32, #tpu.memory_space<hbm>>
      tpu.wait_dma2 semaphore(%run_scoped3A : memref<!tpu.dma_semaphore, #tpu.memory_space<semaphore_mem>>) src(%arg9 : memref<10240xf32, #tpu.memory_space<vmem>>) dst(%dma_wait3A_22 : memref<10240xf32, #tpu.memory_space<hbm>>)
      tpu.yield
    }) : () -> ()
    return
  }
}

#map = affine_map<(d0, d1) -> (0, 0, 0)>
#map1 = affine_map<(d0, d1) -> (0, 0)>
module attributes {stable_mosaic.version = 14 : i64} {
  func.func @_deg_kernel(%arg0: i32, %arg1: i32, %arg2: memref<32x80x128xi32, #tpu.memory_space<hbm>>, %arg3: memref<32x80x128xi32, #tpu.memory_space<hbm>>, %arg4: memref<32x10240xf32, #tpu.memory_space<hbm>>, %arg5: memref<32x10240xf32, #tpu.memory_space<hbm>>, %arg6: memref<80x128xi32, #tpu.memory_space<vmem>>, %arg7: memref<80x128xi32, #tpu.memory_space<vmem>>, %arg8: memref<10240xf32, #tpu.memory_space<vmem>>, %arg9: memref<10240xf32, #tpu.memory_space<vmem>>) attributes {dimension_semantics = [#tpu.dimension_semantics<core_parallel>, #tpu.dimension_semantics<subcore_parallel>], iteration_bounds = array<i64: 2, 16>, scalar_prefetch = 0 : i64, scratch_operands = 4 : i64, tpu.core_type = #tpu.core_type<sc_vector_subcore>, window_params = [{transform_indices = #map}, {transform_indices = #map}, {transform_indices = #map1}, {transform_indices = #map1}]} {
    %mul3A = arith.constant 2 : i32
    %mul3A_0 = arith.muli %arg1, %mul3A : i32
    %add3A = arith.addi %mul3A_0, %arg0 : i32
    "tpu.region"() ({
      %run_scoped3A = tpu.sem_alloc : memref<!tpu.dma_semaphore, #tpu.memory_space<semaphore_mem>>
      %dma_start3A = arith.constant 0 : i32
      %dma_start3A_15 = arith.constant 0 : i32
      %dma_start3A_16 = tpu.memref_slice %arg2[%add3A, %dma_start3A, %dma_start3A_15] : memref<32x80x128xi32, #tpu.memory_space<hbm>> -> memref<1x80x128xi32, #tpu.memory_space<hbm>>
      %dma_start3A_17 = tpu.memref_squeeze %dma_start3A_16 : memref<1x80x128xi32, #tpu.memory_space<hbm>> -> memref<80x128xi32, #tpu.memory_space<hbm>>
      %dma_start3A_18 = arith.constant 0 : i32
      %dma_start3A_19 = arith.constant 0 : i32
      %dma_start3A_20 = tpu.memref_slice %arg2[%add3A, %dma_start3A_18, %dma_start3A_19] : memref<32x80x128xi32, #tpu.memory_space<hbm>> -> memref<1x80x128xi32, #tpu.memory_space<hbm>>
      %dma_start3A_21 = tpu.memref_squeeze %dma_start3A_20 : memref<1x80x128xi32, #tpu.memory_space<hbm>> -> memref<80x128xi32, #tpu.memory_space<hbm>>
      tpu.enqueue_dma source(%dma_start3A_21 : memref<80x128xi32, #tpu.memory_space<hbm>>) target(%arg6 : memref<80x128xi32, #tpu.memory_space<vmem>>) target_semaphore(%run_scoped3A : memref<!tpu.dma_semaphore, #tpu.memory_space<semaphore_mem>>)
      %dma_wait3A = arith.constant 0 : i32
      %dma_wait3A_22 = arith.constant 0 : i32
      %dma_wait3A_23 = tpu.memref_slice %arg2[%add3A, %dma_wait3A, %dma_wait3A_22] : memref<32x80x128xi32, #tpu.memory_space<hbm>> -> memref<1x80x128xi32, #tpu.memory_space<hbm>>
      %dma_wait3A_24 = tpu.memref_squeeze %dma_wait3A_23 : memref<1x80x128xi32, #tpu.memory_space<hbm>> -> memref<80x128xi32, #tpu.memory_space<hbm>>
      %dma_wait3A_25 = arith.constant 0 : i32
      %dma_wait3A_26 = arith.constant 0 : i32
      %dma_wait3A_27 = tpu.memref_slice %arg2[%add3A, %dma_wait3A_25, %dma_wait3A_26] : memref<32x80x128xi32, #tpu.memory_space<hbm>> -> memref<1x80x128xi32, #tpu.memory_space<hbm>>
      %dma_wait3A_28 = tpu.memref_squeeze %dma_wait3A_27 : memref<1x80x128xi32, #tpu.memory_space<hbm>> -> memref<80x128xi32, #tpu.memory_space<hbm>>
      tpu.wait_dma2 semaphore(%run_scoped3A : memref<!tpu.dma_semaphore, #tpu.memory_space<semaphore_mem>>) src(%dma_wait3A_28 : memref<80x128xi32, #tpu.memory_space<hbm>>) dst(%arg6 : memref<80x128xi32, #tpu.memory_space<vmem>>)
      tpu.yield
    }) : () -> ()
    "tpu.region"() ({
      %run_scoped3A = tpu.sem_alloc : memref<!tpu.dma_semaphore, #tpu.memory_space<semaphore_mem>>
      %dma_start3A = arith.constant 0 : i32
      %dma_start3A_15 = arith.constant 0 : i32
      %dma_start3A_16 = tpu.memref_slice %arg3[%add3A, %dma_start3A, %dma_start3A_15] : memref<32x80x128xi32, #tpu.memory_space<hbm>> -> memref<1x80x128xi32, #tpu.memory_space<hbm>>
      %dma_start3A_17 = tpu.memref_squeeze %dma_start3A_16 : memref<1x80x128xi32, #tpu.memory_space<hbm>> -> memref<80x128xi32, #tpu.memory_space<hbm>>
      %dma_start3A_18 = arith.constant 0 : i32
      %dma_start3A_19 = arith.constant 0 : i32
      %dma_start3A_20 = tpu.memref_slice %arg3[%add3A, %dma_start3A_18, %dma_start3A_19] : memref<32x80x128xi32, #tpu.memory_space<hbm>> -> memref<1x80x128xi32, #tpu.memory_space<hbm>>
      %dma_start3A_21 = tpu.memref_squeeze %dma_start3A_20 : memref<1x80x128xi32, #tpu.memory_space<hbm>> -> memref<80x128xi32, #tpu.memory_space<hbm>>
      tpu.enqueue_dma source(%dma_start3A_21 : memref<80x128xi32, #tpu.memory_space<hbm>>) target(%arg7 : memref<80x128xi32, #tpu.memory_space<vmem>>) target_semaphore(%run_scoped3A : memref<!tpu.dma_semaphore, #tpu.memory_space<semaphore_mem>>)
      %dma_wait3A = arith.constant 0 : i32
      %dma_wait3A_22 = arith.constant 0 : i32
      %dma_wait3A_23 = tpu.memref_slice %arg3[%add3A, %dma_wait3A, %dma_wait3A_22] : memref<32x80x128xi32, #tpu.memory_space<hbm>> -> memref<1x80x128xi32, #tpu.memory_space<hbm>>
      %dma_wait3A_24 = tpu.memref_squeeze %dma_wait3A_23 : memref<1x80x128xi32, #tpu.memory_space<hbm>> -> memref<80x128xi32, #tpu.memory_space<hbm>>
      %dma_wait3A_25 = arith.constant 0 : i32
      %dma_wait3A_26 = arith.constant 0 : i32
      %dma_wait3A_27 = tpu.memref_slice %arg3[%add3A, %dma_wait3A_25, %dma_wait3A_26] : memref<32x80x128xi32, #tpu.memory_space<hbm>> -> memref<1x80x128xi32, #tpu.memory_space<hbm>>
      %dma_wait3A_28 = tpu.memref_squeeze %dma_wait3A_27 : memref<1x80x128xi32, #tpu.memory_space<hbm>> -> memref<80x128xi32, #tpu.memory_space<hbm>>
      tpu.wait_dma2 semaphore(%run_scoped3A : memref<!tpu.dma_semaphore, #tpu.memory_space<semaphore_mem>>) src(%dma_wait3A_28 : memref<80x128xi32, #tpu.memory_space<hbm>>) dst(%arg7 : memref<80x128xi32, #tpu.memory_space<vmem>>)
      tpu.yield
    }) : () -> ()
    %broadcast_in_dim3A = arith.constant 0.000000e+00 : f32
    %broadcast_in_dim3A_1 = vector.broadcast %broadcast_in_dim3A : f32 to vector<16xf32>
    %scan3A = arith.constant 0 : i32
    %scan3A_2 = arith.constant 0 : i32
    %scan3A_3 = arith.constant 640 : i32
    %scan3A_4 = arith.addi %scan3A_2, %scan3A_3 : i32
    %scan3A_5 = arith.constant 1 : i32
    scf.for %scan3A_15 = %scan3A_2 to %scan3A_4 step %scan3A_5  : i32 {
      %mul3A_16 = arith.constant 16 : i32
      %mul3A_17 = arith.muli %scan3A_15, %mul3A_16 : i32
      %swap3A = arith.index_cast %mul3A_17 : i32 to index
      %swap3A_18 = tpu.vector_load %arg8[%swap3A] {strides = array<i32>} : memref<10240xf32, #tpu.memory_space<vmem>>, vector<16xf32>,
      tpu.vector_store %arg8[%swap3A], %broadcast_in_dim3A_1 {strides = array<i32>} : memref<10240xf32, #tpu.memory_space<vmem>>, vector<16xf32>,
      %mul3A_19 = arith.constant 16 : i32
      %mul3A_20 = arith.muli %scan3A_15, %mul3A_19 : i32
      %swap3A_21 = arith.index_cast %mul3A_20 : i32 to index
      %swap3A_22 = tpu.vector_load %arg9[%swap3A_21] {strides = array<i32>} : memref<10240xf32, #tpu.memory_space<vmem>>, vector<16xf32>,
      tpu.vector_store %arg9[%swap3A_21], %broadcast_in_dim3A_1 {strides = array<i32>} : memref<10240xf32, #tpu.memory_space<vmem>>, vector<16xf32>,
    }
    %scan3A_6 = arith.constant 640 : i32
    %broadcast_in_dim3A_7 = arith.constant 1.000000e+00 : f32
    %broadcast_in_dim3A_8 = vector.broadcast %broadcast_in_dim3A_7 : f32 to vector<16xf32>
    %scan3A_9 = arith.constant 0 : i32
    %scan3A_10 = arith.constant 0 : i32
    %scan3A_11 = arith.constant 80 : i32
    %scan3A_12 = arith.addi %scan3A_10, %scan3A_11 : i32
    %scan3A_13 = arith.constant 1 : i32
    scf.for %scan3A_15 = %scan3A_10 to %scan3A_12 step %scan3A_13  : i32 {
      %scan3A_16 = arith.constant 0 : i32
      %scan3A_17 = arith.constant 8 : i32
      %scan3A_18 = arith.addi %scan3A_16, %scan3A_17 : i32
      %scan3A_19 = arith.constant 1 : i32
      scf.for %scan3A_21 = %scan3A_16 to %scan3A_18 step %scan3A_19  : i32 {
        %mul3A_22 = arith.constant 16 : i32
        %mul3A_23 = arith.muli %scan3A_21, %mul3A_22 : i32
        %get3A = arith.index_cast %scan3A_15 : i32 to index
        %get3A_24 = arith.index_cast %mul3A_23 : i32 to index
        %get3A_25 = tpu.vector_load %arg6[%get3A, %get3A_24] {strides = array<i32>} : memref<80x128xi32, #tpu.memory_space<vmem>>, vector<16xi32>,
        tpu.vector_store_idx %arg8[%get3A_25], %broadcast_in_dim3A_8 {add = true} : memref<10240xf32, #tpu.memory_space<vmem>>[vector<16xi32>], vector<16xf32>,
        %mul3A_26 = arith.constant 16 : i32
        %mul3A_27 = arith.muli %scan3A_21, %mul3A_26 : i32
        %get3A_28 = arith.index_cast %scan3A_15 : i32 to index
        %get3A_29 = arith.index_cast %mul3A_27 : i32 to index
        %get3A_30 = tpu.vector_load %arg7[%get3A_28, %get3A_29] {strides = array<i32>} : memref<80x128xi32, #tpu.memory_space<vmem>>, vector<16xi32>,
        tpu.vector_store_idx %arg9[%get3A_30], %broadcast_in_dim3A_8 {add = true} : memref<10240xf32, #tpu.memory_space<vmem>>[vector<16xi32>], vector<16xf32>,
      }
      %scan3A_20 = arith.constant 8 : i32
    }
    %scan3A_14 = arith.constant 80 : i32
    "tpu.region"() ({
      %run_scoped3A = tpu.sem_alloc : memref<!tpu.dma_semaphore, #tpu.memory_space<semaphore_mem>>
      %dma_start3A = arith.constant 0 : i32
      %dma_start3A_15 = tpu.memref_slice %arg4[%add3A, %dma_start3A] : memref<32x10240xf32, #tpu.memory_space<hbm>> -> memref<1x10240xf32, #tpu.memory_space<hbm>>
      %dma_start3A_16 = tpu.memref_squeeze %dma_start3A_15 : memref<1x10240xf32, #tpu.memory_space<hbm>> -> memref<10240xf32, #tpu.memory_space<hbm>>
      %dma_start3A_17 = arith.constant 0 : i32
      %dma_start3A_18 = tpu.memref_slice %arg4[%add3A, %dma_start3A_17] : memref<32x10240xf32, #tpu.memory_space<hbm>> -> memref<1x10240xf32, #tpu.memory_space<hbm>>
      %dma_start3A_19 = tpu.memref_squeeze %dma_start3A_18 : memref<1x10240xf32, #tpu.memory_space<hbm>> -> memref<10240xf32, #tpu.memory_space<hbm>>
      tpu.enqueue_dma source(%arg8 : memref<10240xf32, #tpu.memory_space<vmem>>) target(%dma_start3A_19 : memref<10240xf32, #tpu.memory_space<hbm>>) target_semaphore(%run_scoped3A : memref<!tpu.dma_semaphore, #tpu.memory_space<semaphore_mem>>)
      %dma_wait3A = arith.constant 0 : i32
      %dma_wait3A_20 = tpu.memref_slice %arg4[%add3A, %dma_wait3A] : memref<32x10240xf32, #tpu.memory_space<hbm>> -> memref<1x10240xf32, #tpu.memory_space<hbm>>
      %dma_wait3A_21 = tpu.memref_squeeze %dma_wait3A_20 : memref<1x10240xf32, #tpu.memory_space<hbm>> -> memref<10240xf32, #tpu.memory_space<hbm>>
      %dma_wait3A_22 = arith.constant 0 : i32
      %dma_wait3A_23 = tpu.memref_slice %arg4[%add3A, %dma_wait3A_22] : memref<32x10240xf32, #tpu.memory_space<hbm>> -> memref<1x10240xf32, #tpu.memory_space<hbm>>
      %dma_wait3A_24 = tpu.memref_squeeze %dma_wait3A_23 : memref<1x10240xf32, #tpu.memory_space<hbm>> -> memref<10240xf32, #tpu.memory_space<hbm>>
      tpu.wait_dma2 semaphore(%run_scoped3A : memref<!tpu.dma_semaphore, #tpu.memory_space<semaphore_mem>>) src(%arg8 : memref<10240xf32, #tpu.memory_space<vmem>>) dst(%dma_wait3A_24 : memref<10240xf32, #tpu.memory_space<hbm>>)
      tpu.yield
    }) : () -> ()
    "tpu.region"() ({
      %run_scoped3A = tpu.sem_alloc : memref<!tpu.dma_semaphore, #tpu.memory_space<semaphore_mem>>
      %dma_start3A = arith.constant 0 : i32
      %dma_start3A_15 = tpu.memref_slice %arg5[%add3A, %dma_start3A] : memref<32x10240xf32, #tpu.memory_space<hbm>> -> memref<1x10240xf32, #tpu.memory_space<hbm>>
      %dma_start3A_16 = tpu.memref_squeeze %dma_start3A_15 : memref<1x10240xf32, #tpu.memory_space<hbm>> -> memref<10240xf32, #tpu.memory_space<hbm>>
      %dma_start3A_17 = arith.constant 0 : i32
      %dma_start3A_18 = tpu.memref_slice %arg5[%add3A, %dma_start3A_17] : memref<32x10240xf32, #tpu.memory_space<hbm>> -> memref<1x10240xf32, #tpu.memory_space<hbm>>
      %dma_start3A_19 = tpu.memref_squeeze %dma_start3A_18 : memref<1x10240xf32, #tpu.memory_space<hbm>> -> memref<10240xf32, #tpu.memory_space<hbm>>
      tpu.enqueue_dma source(%arg9 : memref<10240xf32, #tpu.memory_space<vmem>>) target(%dma_start3A_19 : memref<10240xf32, #tpu.memory_space<hbm>>) target_semaphore(%run_scoped3A : memref<!tpu.dma_semaphore, #tpu.memory_space<semaphore_mem>>)
      %dma_wait3A = arith.constant 0 : i32
      %dma_wait3A_20 = tpu.memref_slice %arg5[%add3A, %dma_wait3A] : memref<32x10240xf32, #tpu.memory_space<hbm>> -> memref<1x10240xf32, #tpu.memory_space<hbm>>
      %dma_wait3A_21 = tpu.memref_squeeze %dma_wait3A_20 : memref<1x10240xf32, #tpu.memory_space<hbm>> -> memref<10240xf32, #tpu.memory_space<hbm>>
      %dma_wait3A_22 = arith.constant 0 : i32
      %dma_wait3A_23 = tpu.memref_slice %arg5[%add3A, %dma_wait3A_22] : memref<32x10240xf32, #tpu.memory_space<hbm>> -> memref<1x10240xf32, #tpu.memory_space<hbm>>
      %dma_wait3A_24 = tpu.memref_squeeze %dma_wait3A_23 : memref<1x10240xf32, #tpu.memory_space<hbm>> -> memref<10240xf32, #tpu.memory_space<hbm>>
      tpu.wait_dma2 semaphore(%run_scoped3A : memref<!tpu.dma_semaphore, #tpu.memory_space<semaphore_mem>>) src(%arg9 : memref<10240xf32, #tpu.memory_space<vmem>>) dst(%dma_wait3A_24 : memref<10240xf32, #tpu.memory_space<hbm>>)
      tpu.yield
    }) : () -> ()
    return
  }
}

#map = affine_map<(d0, d1) -> (0, 0)>
#map1 = affine_map<(d0, d1) -> (0, 0, 0)>
#map2 = affine_map<(d0, d1) -> (0, 0, 0, 0)>
module attributes {stable_mosaic.version = 14 : i64} {
  func.func @_scatter_kernel(%arg0: i32, %arg1: i32, %arg2: memref<10240x64xbf16, #tpu.memory_space<hbm>>, %arg3: memref<10240x64xbf16, #tpu.memory_space<hbm>>, %arg4: memref<16x160x128xi32, #tpu.memory_space<hbm>>, %arg5: memref<16x160x128xi32, #tpu.memory_space<hbm>>, %arg6: memref<640x64xbf16, #tpu.memory_space<hbm>>, %arg7: memref<2x2x10240x64xbf16, #tpu.memory_space<hbm>>, %arg8: memref<160x128xi32, #tpu.memory_space<vmem>>, %arg9: memref<160x128xi32, #tpu.memory_space<vmem>>, %arg10: memref<4x128x64xbf16, #tpu.memory_space<vmem>>, %arg11: memref<2x10240x64xbf16, #tpu.memory_space<vmem_shared>>, %arg12: memref<10016x64xbf16, #tpu.memory_space<vmem_shared>>, %arg13: memref<!tpu.dma_semaphore, #tpu.memory_space<semaphore_mem>>, %arg14: memref<!tpu.dma_semaphore, #tpu.memory_space<semaphore_mem>>, %arg15: memref<!tpu.dma_semaphore, #tpu.memory_space<semaphore_mem>>, %arg16: memref<!tpu.dma_semaphore, #tpu.memory_space<semaphore_mem>>, %arg17: memref<!tpu.dma_semaphore, #tpu.memory_space<semaphore_mem>>, %arg18: memref<!tpu.dma_semaphore, #tpu.memory_space<semaphore_mem>>, %arg19: memref<!tpu.dma_semaphore, #tpu.memory_space<semaphore_mem>>, %arg20: memref<!tpu.dma_semaphore, #tpu.memory_space<semaphore_mem>>) attributes {dimension_semantics = [#tpu.dimension_semantics<core_parallel>, #tpu.dimension_semantics<subcore_parallel>], iteration_bounds = array<i64: 2, 16>, scalar_prefetch = 0 : i64, scratch_operands = 13 : i64, tpu.core_type = #tpu.core_type<sc_vector_subcore>, window_params = [{transform_indices = #map}, {transform_indices = #map}, {transform_indices = #map1}, {transform_indices = #map1}, {transform_indices = #map}, {transform_indices = #map2}]} {
    "tpu.region"() ({
      %run_scoped3A_77 = tpu.sem_alloc : memref<!tpu.dma_semaphore, #tpu.memory_space<semaphore_mem>>
      %dma_start3A_78 = arith.constant 0 : i32
      %dma_start3A_79 = arith.constant 0 : i32
      %dma_start3A_80 = tpu.memref_slice %arg4[%arg1, %dma_start3A_78, %dma_start3A_79] : memref<16x160x128xi32, #tpu.memory_space<hbm>> -> memref<1x160x128xi32, #tpu.memory_space<hbm>>
      %dma_start3A_81 = tpu.memref_squeeze %dma_start3A_80 : memref<1x160x128xi32, #tpu.memory_space<hbm>> -> memref<160x128xi32, #tpu.memory_space<hbm>>
      %dma_start3A_82 = arith.constant 0 : i32
      %dma_start3A_83 = arith.constant 0 : i32
      %dma_start3A_84 = tpu.memref_slice %arg4[%arg1, %dma_start3A_82, %dma_start3A_83] : memref<16x160x128xi32, #tpu.memory_space<hbm>> -> memref<1x160x128xi32, #tpu.memory_space<hbm>>
      %dma_start3A_85 = tpu.memref_squeeze %dma_start3A_84 : memref<1x160x128xi32, #tpu.memory_space<hbm>> -> memref<160x128xi32, #tpu.memory_space<hbm>>
      tpu.enqueue_dma source(%dma_start3A_85 : memref<160x128xi32, #tpu.memory_space<hbm>>) target(%arg8 : memref<160x128xi32, #tpu.memory_space<vmem>>) target_semaphore(%run_scoped3A_77 : memref<!tpu.dma_semaphore, #tpu.memory_space<semaphore_mem>>)
      %dma_wait3A = arith.constant 0 : i32
      %dma_wait3A_86 = arith.constant 0 : i32
      %dma_wait3A_87 = tpu.memref_slice %arg4[%arg1, %dma_wait3A, %dma_wait3A_86] : memref<16x160x128xi32, #tpu.memory_space<hbm>> -> memref<1x160x128xi32, #tpu.memory_space<hbm>>
      %dma_wait3A_88 = tpu.memref_squeeze %dma_wait3A_87 : memref<1x160x128xi32, #tpu.memory_space<hbm>> -> memref<160x128xi32, #tpu.memory_space<hbm>>
      %dma_wait3A_89 = arith.constant 0 : i32
      %dma_wait3A_90 = arith.constant 0 : i32
      %dma_wait3A_91 = tpu.memref_slice %arg4[%arg1, %dma_wait3A_89, %dma_wait3A_90] : memref<16x160x128xi32, #tpu.memory_space<hbm>> -> memref<1x160x128xi32, #tpu.memory_space<hbm>>
      %dma_wait3A_92 = tpu.memref_squeeze %dma_wait3A_91 : memref<1x160x128xi32, #tpu.memory_space<hbm>> -> memref<160x128xi32, #tpu.memory_space<hbm>>
      tpu.wait_dma2 semaphore(%run_scoped3A_77 : memref<!tpu.dma_semaphore, #tpu.memory_space<semaphore_mem>>) src(%dma_wait3A_92 : memref<160x128xi32, #tpu.memory_space<hbm>>) dst(%arg8 : memref<160x128xi32, #tpu.memory_space<vmem>>)
      tpu.yield
    }) : () -> ()
    "tpu.region"() ({
      %run_scoped3A_77 = tpu.sem_alloc : memref<!tpu.dma_semaphore, #tpu.memory_space<semaphore_mem>>
      %dma_start3A_78 = arith.constant 0 : i32
      %dma_start3A_79 = arith.constant 0 : i32
      %dma_start3A_80 = tpu.memref_slice %arg5[%arg1, %dma_start3A_78, %dma_start3A_79] : memref<16x160x128xi32, #tpu.memory_space<hbm>> -> memref<1x160x128xi32, #tpu.memory_space<hbm>>
      %dma_start3A_81 = tpu.memref_squeeze %dma_start3A_80 : memref<1x160x128xi32, #tpu.memory_space<hbm>> -> memref<160x128xi32, #tpu.memory_space<hbm>>
      %dma_start3A_82 = arith.constant 0 : i32
      %dma_start3A_83 = arith.constant 0 : i32
      %dma_start3A_84 = tpu.memref_slice %arg5[%arg1, %dma_start3A_82, %dma_start3A_83] : memref<16x160x128xi32, #tpu.memory_space<hbm>> -> memref<1x160x128xi32, #tpu.memory_space<hbm>>
      %dma_start3A_85 = tpu.memref_squeeze %dma_start3A_84 : memref<1x160x128xi32, #tpu.memory_space<hbm>> -> memref<160x128xi32, #tpu.memory_space<hbm>>
      tpu.enqueue_dma source(%dma_start3A_85 : memref<160x128xi32, #tpu.memory_space<hbm>>) target(%arg9 : memref<160x128xi32, #tpu.memory_space<vmem>>) target_semaphore(%run_scoped3A_77 : memref<!tpu.dma_semaphore, #tpu.memory_space<semaphore_mem>>)
      %dma_wait3A = arith.constant 0 : i32
      %dma_wait3A_86 = arith.constant 0 : i32
      %dma_wait3A_87 = tpu.memref_slice %arg5[%arg1, %dma_wait3A, %dma_wait3A_86] : memref<16x160x128xi32, #tpu.memory_space<hbm>> -> memref<1x160x128xi32, #tpu.memory_space<hbm>>
      %dma_wait3A_88 = tpu.memref_squeeze %dma_wait3A_87 : memref<1x160x128xi32, #tpu.memory_space<hbm>> -> memref<160x128xi32, #tpu.memory_space<hbm>>
      %dma_wait3A_89 = arith.constant 0 : i32
      %dma_wait3A_90 = arith.constant 0 : i32
      %dma_wait3A_91 = tpu.memref_slice %arg5[%arg1, %dma_wait3A_89, %dma_wait3A_90] : memref<16x160x128xi32, #tpu.memory_space<hbm>> -> memref<1x160x128xi32, #tpu.memory_space<hbm>>
      %dma_wait3A_92 = tpu.memref_squeeze %dma_wait3A_91 : memref<1x160x128xi32, #tpu.memory_space<hbm>> -> memref<160x128xi32, #tpu.memory_space<hbm>>
      tpu.wait_dma2 semaphore(%run_scoped3A_77 : memref<!tpu.dma_semaphore, #tpu.memory_space<semaphore_mem>>) src(%dma_wait3A_92 : memref<160x128xi32, #tpu.memory_space<hbm>>) dst(%arg9 : memref<160x128xi32, #tpu.memory_space<vmem>>)
      tpu.yield
    }) : () -> ()
    %eq3A = arith.constant 0 : i32
    %eq3A_0 = arith.cmpi eq, %arg0, %eq3A : i32
    %convert_element_type3A = arith.extui %eq3A_0 : i1 to i32
    %cond3A = arith.constant 0 : i32
    %cond3A_1 = arith.cmpi ne, %convert_element_type3A, %cond3A : i32
    scf.if %cond3A_1 {
      %mul3A_77 = arith.constant 640 : i32
      %mul3A_78 = arith.muli %arg1, %mul3A_77 : i32
      %mul3A_79 = arith.constant 640 : i32
      %mul3A_80 = arith.muli %arg1, %mul3A_79 : i32
      %run_scoped3A_81 = arith.constant 0 : i32
      "tpu.region"() ({
        %run_scoped3A_86 = tpu.sem_alloc : memref<!tpu.dma_semaphore, #tpu.memory_space<semaphore_mem>>
        %dma_start3A_87 = arith.constant 0 : i32
        %dma_start3A_88 = tpu.memref_slice %arg11[%run_scoped3A_81, %mul3A_80, %dma_start3A_87] : memref<2x10240x64xbf16, #tpu.memory_space<vmem_shared>> -> memref<1x640x64xbf16, #tpu.memory_space<vmem_shared>>
        %dma_start3A_89 = tpu.memref_squeeze %dma_start3A_88 : memref<1x640x64xbf16, #tpu.memory_space<vmem_shared>> -> memref<640x64xbf16, #tpu.memory_space<vmem_shared>>
        %dma_start3A_90 = arith.constant 0 : i32
        %dma_start3A_91 = tpu.memref_slice %arg2[%mul3A_78, %dma_start3A_90] : memref<10240x64xbf16, #tpu.memory_space<hbm>> -> memref<640x64xbf16, #tpu.memory_space<hbm>>
        tpu.enqueue_dma source(%dma_start3A_91 : memref<640x64xbf16, #tpu.memory_space<hbm>>) target(%dma_start3A_89 : memref<640x64xbf16, #tpu.memory_space<vmem_shared>>) target_semaphore(%run_scoped3A_86 : memref<!tpu.dma_semaphore, #tpu.memory_space<semaphore_mem>>)
        %dma_wait3A = arith.constant 0 : i32
        %dma_wait3A_92 = tpu.memref_slice %arg11[%run_scoped3A_81, %mul3A_80, %dma_wait3A] : memref<2x10240x64xbf16, #tpu.memory_space<vmem_shared>> -> memref<1x640x64xbf16, #tpu.memory_space<vmem_shared>>
        %dma_wait3A_93 = tpu.memref_squeeze %dma_wait3A_92 : memref<1x640x64xbf16, #tpu.memory_space<vmem_shared>> -> memref<640x64xbf16, #tpu.memory_space<vmem_shared>>
        %dma_wait3A_94 = arith.constant 0 : i32
        %dma_wait3A_95 = tpu.memref_slice %arg2[%mul3A_78, %dma_wait3A_94] : memref<10240x64xbf16, #tpu.memory_space<hbm>> -> memref<640x64xbf16, #tpu.memory_space<hbm>>
        tpu.wait_dma2 semaphore(%run_scoped3A_86 : memref<!tpu.dma_semaphore, #tpu.memory_space<semaphore_mem>>) src(%dma_wait3A_95 : memref<640x64xbf16, #tpu.memory_space<hbm>>) dst(%dma_wait3A_93 : memref<640x64xbf16, #tpu.memory_space<vmem_shared>>)
        tpu.yield
      }) : () -> ()
      %mul3A_82 = arith.constant 626 : i32
      %mul3A_83 = arith.muli %arg1, %mul3A_82 : i32
      %mul3A_84 = arith.constant 626 : i32
      %mul3A_85 = arith.muli %arg1, %mul3A_84 : i32
      "tpu.region"() ({
        %run_scoped3A_86 = tpu.sem_alloc : memref<!tpu.dma_semaphore, #tpu.memory_space<semaphore_mem>>
        %dma_start3A_87 = arith.constant 0 : i32
        %dma_start3A_88 = tpu.memref_slice %arg12[%mul3A_85, %dma_start3A_87] : memref<10016x64xbf16, #tpu.memory_space<vmem_shared>> -> memref<626x64xbf16, #tpu.memory_space<vmem_shared>>
        %dma_start3A_89 = arith.constant 0 : i32
        %dma_start3A_90 = tpu.memref_slice %arg2[%mul3A_83, %dma_start3A_89] : memref<10240x64xbf16, #tpu.memory_space<hbm>> -> memref<626x64xbf16, #tpu.memory_space<hbm>>
        tpu.enqueue_dma source(%dma_start3A_90 : memref<626x64xbf16, #tpu.memory_space<hbm>>) target(%dma_start3A_88 : memref<626x64xbf16, #tpu.memory_space<vmem_shared>>) target_semaphore(%run_scoped3A_86 : memref<!tpu.dma_semaphore, #tpu.memory_space<semaphore_mem>>)
        %dma_wait3A = arith.constant 0 : i32
        %dma_wait3A_91 = tpu.memref_slice %arg12[%mul3A_85, %dma_wait3A] : memref<10016x64xbf16, #tpu.memory_space<vmem_shared>> -> memref<626x64xbf16, #tpu.memory_space<vmem_shared>>
        %dma_wait3A_92 = arith.constant 0 : i32
        %dma_wait3A_93 = tpu.memref_slice %arg2[%mul3A_83, %dma_wait3A_92] : memref<10240x64xbf16, #tpu.memory_space<hbm>> -> memref<626x64xbf16, #tpu.memory_space<hbm>>
        tpu.wait_dma2 semaphore(%run_scoped3A_86 : memref<!tpu.dma_semaphore, #tpu.memory_space<semaphore_mem>>) src(%dma_wait3A_93 : memref<626x64xbf16, #tpu.memory_space<hbm>>) dst(%dma_wait3A_91 : memref<626x64xbf16, #tpu.memory_space<vmem_shared>>)
        tpu.yield
      }) : () -> ()
    } else {
    }
    %eq3A_2 = arith.constant 1 : i32
    %eq3A_3 = arith.cmpi eq, %arg0, %eq3A_2 : i32
    %convert_element_type3A_4 = arith.extui %eq3A_3 : i1 to i32
    %cond3A_5 = arith.constant 0 : i32
    %cond3A_6 = arith.cmpi ne, %convert_element_type3A_4, %cond3A_5 : i32
    scf.if %cond3A_6 {
      %mul3A_77 = arith.constant 640 : i32
      %mul3A_78 = arith.muli %arg1, %mul3A_77 : i32
      %mul3A_79 = arith.constant 640 : i32
      %mul3A_80 = arith.muli %arg1, %mul3A_79 : i32
      %run_scoped3A_81 = arith.constant 0 : i32
      "tpu.region"() ({
        %run_scoped3A_86 = tpu.sem_alloc : memref<!tpu.dma_semaphore, #tpu.memory_space<semaphore_mem>>
        %dma_start3A_87 = arith.constant 0 : i32
        %dma_start3A_88 = tpu.memref_slice %arg11[%run_scoped3A_81, %mul3A_80, %dma_start3A_87] : memref<2x10240x64xbf16, #tpu.memory_space<vmem_shared>> -> memref<1x640x64xbf16, #tpu.memory_space<vmem_shared>>
        %dma_start3A_89 = tpu.memref_squeeze %dma_start3A_88 : memref<1x640x64xbf16, #tpu.memory_space<vmem_shared>> -> memref<640x64xbf16, #tpu.memory_space<vmem_shared>>
        %dma_start3A_90 = arith.constant 0 : i32
        %dma_start3A_91 = tpu.memref_slice %arg3[%mul3A_78, %dma_start3A_90] : memref<10240x64xbf16, #tpu.memory_space<hbm>> -> memref<640x64xbf16, #tpu.memory_space<hbm>>
        tpu.enqueue_dma source(%dma_start3A_91 : memref<640x64xbf16, #tpu.memory_space<hbm>>) target(%dma_start3A_89 : memref<640x64xbf16, #tpu.memory_space<vmem_shared>>) target_semaphore(%run_scoped3A_86 : memref<!tpu.dma_semaphore, #tpu.memory_space<semaphore_mem>>)
        %dma_wait3A = arith.constant 0 : i32
        %dma_wait3A_92 = tpu.memref_slice %arg11[%run_scoped3A_81, %mul3A_80, %dma_wait3A] : memref<2x10240x64xbf16, #tpu.memory_space<vmem_shared>> -> memref<1x640x64xbf16, #tpu.memory_space<vmem_shared>>
        %dma_wait3A_93 = tpu.memref_squeeze %dma_wait3A_92 : memref<1x640x64xbf16, #tpu.memory_space<vmem_shared>> -> memref<640x64xbf16, #tpu.memory_space<vmem_shared>>
        %dma_wait3A_94 = arith.constant 0 : i32
        %dma_wait3A_95 = tpu.memref_slice %arg3[%mul3A_78, %dma_wait3A_94] : memref<10240x64xbf16, #tpu.memory_space<hbm>> -> memref<640x64xbf16, #tpu.memory_space<hbm>>
        tpu.wait_dma2 semaphore(%run_scoped3A_86 : memref<!tpu.dma_semaphore, #tpu.memory_space<semaphore_mem>>) src(%dma_wait3A_95 : memref<640x64xbf16, #tpu.memory_space<hbm>>) dst(%dma_wait3A_93 : memref<640x64xbf16, #tpu.memory_space<vmem_shared>>)
        tpu.yield
      }) : () -> ()
      %mul3A_82 = arith.constant 626 : i32
      %mul3A_83 = arith.muli %arg1, %mul3A_82 : i32
      %mul3A_84 = arith.constant 626 : i32
      %mul3A_85 = arith.muli %arg1, %mul3A_84 : i32
      "tpu.region"() ({
        %run_scoped3A_86 = tpu.sem_alloc : memref<!tpu.dma_semaphore, #tpu.memory_space<semaphore_mem>>
        %dma_start3A_87 = arith.constant 0 : i32
        %dma_start3A_88 = tpu.memref_slice %arg12[%mul3A_85, %dma_start3A_87] : memref<10016x64xbf16, #tpu.memory_space<vmem_shared>> -> memref<626x64xbf16, #tpu.memory_space<vmem_shared>>
        %dma_start3A_89 = arith.constant 0 : i32
        %dma_start3A_90 = tpu.memref_slice %arg3[%mul3A_83, %dma_start3A_89] : memref<10240x64xbf16, #tpu.memory_space<hbm>> -> memref<626x64xbf16, #tpu.memory_space<hbm>>
        tpu.enqueue_dma source(%dma_start3A_90 : memref<626x64xbf16, #tpu.memory_space<hbm>>) target(%dma_start3A_88 : memref<626x64xbf16, #tpu.memory_space<vmem_shared>>) target_semaphore(%run_scoped3A_86 : memref<!tpu.dma_semaphore, #tpu.memory_space<semaphore_mem>>)
        %dma_wait3A = arith.constant 0 : i32
        %dma_wait3A_91 = tpu.memref_slice %arg12[%mul3A_85, %dma_wait3A] : memref<10016x64xbf16, #tpu.memory_space<vmem_shared>> -> memref<626x64xbf16, #tpu.memory_space<vmem_shared>>
        %dma_wait3A_92 = arith.constant 0 : i32
        %dma_wait3A_93 = tpu.memref_slice %arg3[%mul3A_83, %dma_wait3A_92] : memref<10240x64xbf16, #tpu.memory_space<hbm>> -> memref<626x64xbf16, #tpu.memory_space<hbm>>
        tpu.wait_dma2 semaphore(%run_scoped3A_86 : memref<!tpu.dma_semaphore, #tpu.memory_space<semaphore_mem>>) src(%dma_wait3A_93 : memref<626x64xbf16, #tpu.memory_space<hbm>>) dst(%dma_wait3A_91 : memref<626x64xbf16, #tpu.memory_space<vmem_shared>>)
        tpu.yield
      }) : () -> ()
    } else {
    }
    %mul3A = arith.constant 640 : i32
    %mul3A_7 = arith.muli %arg1, %mul3A : i32
    %run_scoped3A = arith.constant 1 : i32
    "tpu.region"() ({
      %run_scoped3A_77 = tpu.sem_alloc : memref<!tpu.dma_semaphore, #tpu.memory_space<semaphore_mem>>
      %dma_start3A_78 = arith.constant 0 : i32
      %dma_start3A_79 = tpu.memref_slice %arg11[%run_scoped3A, %mul3A_7, %dma_start3A_78] : memref<2x10240x64xbf16, #tpu.memory_space<vmem_shared>> -> memref<1x640x64xbf16, #tpu.memory_space<vmem_shared>>
      %dma_start3A_80 = tpu.memref_squeeze %dma_start3A_79 : memref<1x640x64xbf16, #tpu.memory_space<vmem_shared>> -> memref<640x64xbf16, #tpu.memory_space<vmem_shared>>
      tpu.enqueue_dma source(%arg6 : memref<640x64xbf16, #tpu.memory_space<hbm>>) target(%dma_start3A_80 : memref<640x64xbf16, #tpu.memory_space<vmem_shared>>) target_semaphore(%run_scoped3A_77 : memref<!tpu.dma_semaphore, #tpu.memory_space<semaphore_mem>>)
      %dma_wait3A = arith.constant 0 : i32
      %dma_wait3A_81 = tpu.memref_slice %arg11[%run_scoped3A, %mul3A_7, %dma_wait3A] : memref<2x10240x64xbf16, #tpu.memory_space<vmem_shared>> -> memref<1x640x64xbf16, #tpu.memory_space<vmem_shared>>
      %dma_wait3A_82 = tpu.memref_squeeze %dma_wait3A_81 : memref<1x640x64xbf16, #tpu.memory_space<vmem_shared>> -> memref<640x64xbf16, #tpu.memory_space<vmem_shared>>
      tpu.wait_dma2 semaphore(%run_scoped3A_77 : memref<!tpu.dma_semaphore, #tpu.memory_space<semaphore_mem>>) src(%arg6 : memref<640x64xbf16, #tpu.memory_space<hbm>>) dst(%dma_wait3A_82 : memref<640x64xbf16, #tpu.memory_space<vmem_shared>>)
      tpu.yield
    }) : () -> ()
    %barrier3A = arith.constant 0 : index
    tpu.barrier barrier_id(%barrier3A)
    %dma_start3A = arith.constant 0 : i32
    %dma_start3A_8 = arith.constant 0 : i32
    %dma_start3A_9 = arith.constant 0 : i32
    %dma_start3A_10 = arith.constant 0 : i32
    %dma_start3A_11 = tpu.memref_slice %arg10[%dma_start3A_8, %dma_start3A_9, %dma_start3A_10] : memref<4x128x64xbf16, #tpu.memory_space<vmem>> -> memref<1x128x64xbf16, #tpu.memory_space<vmem>>
    %dma_start3A_12 = tpu.memref_squeeze %dma_start3A_11 : memref<1x128x64xbf16, #tpu.memory_space<vmem>> -> memref<128x64xbf16, #tpu.memory_space<vmem>>
    %dma_start3A_13 = arith.constant 0 : i32
    %dma_start3A_14 = tpu.memref_slice %arg8[%dma_start3A, %dma_start3A_13] : memref<160x128xi32, #tpu.memory_space<vmem>> -> memref<1x128xi32, #tpu.memory_space<vmem>>
    %dma_start3A_15 = tpu.memref_squeeze %dma_start3A_14 : memref<1x128xi32, #tpu.memory_space<vmem>> -> memref<128xi32, #tpu.memory_space<vmem>>
    %dma_start3A_16 = arith.constant 0 : i32
    %dma_start3A_17 = arith.constant 0 : i32
    %dma_start3A_18 = tpu.memref_slice %arg12[%dma_start3A_16, %dma_start3A_17] : memref<10016x64xbf16, #tpu.memory_space<vmem_shared>> -> memref<10016x64xbf16, #tpu.memory_space<vmem_shared>>
    tpu.enqueue_indirect_dma source(%dma_start3A_18 : memref<10016x64xbf16, #tpu.memory_space<vmem_shared>>) target(%dma_start3A_12 : memref<128x64xbf16, #tpu.memory_space<vmem>>) offsets(%dma_start3A_15 : memref<128xi32, #tpu.memory_space<vmem>>) semaphore(%arg13 : memref<!tpu.dma_semaphore, #tpu.memory_space<semaphore_mem>>)
    %dma_start3A_19 = arith.constant 1 : i32
    %dma_start3A_20 = arith.constant 1 : i32
    %dma_start3A_21 = arith.constant 0 : i32
    %dma_start3A_22 = arith.constant 0 : i32
    %dma_start3A_23 = tpu.memref_slice %arg10[%dma_start3A_20, %dma_start3A_21, %dma_start3A_22] : memref<4x128x64xbf16, #tpu.memory_space<vmem>> -> memref<1x128x64xbf16, #tpu.memory_space<vmem>>
    %dma_start3A_24 = tpu.memref_squeeze %dma_start3A_23 : memref<1x128x64xbf16, #tpu.memory_space<vmem>> -> memref<128x64xbf16, #tpu.memory_space<vmem>>
    %dma_start3A_25 = arith.constant 0 : i32
    %dma_start3A_26 = tpu.memref_slice %arg8[%dma_start3A_19, %dma_start3A_25] : memref<160x128xi32, #tpu.memory_space<vmem>> -> memref<1x128xi32, #tpu.memory_space<vmem>>
    %dma_start3A_27 = tpu.memref_squeeze %dma_start3A_26 : memref<1x128xi32, #tpu.memory_space<vmem>> -> memref<128xi32, #tpu.memory_space<vmem>>
    %dma_start3A_28 = arith.constant 0 : i32
    %dma_start3A_29 = arith.constant 0 : i32
    %dma_start3A_30 = tpu.memref_slice %arg12[%dma_start3A_28, %dma_start3A_29] : memref<10016x64xbf16, #tpu.memory_space<vmem_shared>> -> memref<10016x64xbf16, #tpu.memory_space<vmem_shared>>
    tpu.enqueue_indirect_dma source(%dma_start3A_30 : memref<10016x64xbf16, #tpu.memory_space<vmem_shared>>) target(%dma_start3A_24 : memref<128x64xbf16, #tpu.memory_space<vmem>>) offsets(%dma_start3A_27 : memref<128xi32, #tpu.memory_space<vmem>>) semaphore(%arg14 : memref<!tpu.dma_semaphore, #tpu.memory_space<semaphore_mem>>)
    %dma_start3A_31 = arith.constant 2 : i32
    %dma_start3A_32 = arith.constant 2 : i32
    %dma_start3A_33 = arith.constant 0 : i32
    %dma_start3A_34 = arith.constant 0 : i32
    %dma_start3A_35 = tpu.memref_slice %arg10[%dma_start3A_32, %dma_start3A_33, %dma_start3A_34] : memref<4x128x64xbf16, #tpu.memory_space<vmem>> -> memref<1x128x64xbf16, #tpu.memory_space<vmem>>
    %dma_start3A_36 = tpu.memref_squeeze %dma_start3A_35 : memref<1x128x64xbf16, #tpu.memory_space<vmem>> -> memref<128x64xbf16, #tpu.memory_space<vmem>>
    %dma_start3A_37 = arith.constant 0 : i32
    %dma_start3A_38 = tpu.memref_slice %arg8[%dma_start3A_31, %dma_start3A_37] : memref<160x128xi32, #tpu.memory_space<vmem>> -> memref<1x128xi32, #tpu.memory_space<vmem>>
    %dma_start3A_39 = tpu.memref_squeeze %dma_start3A_38 : memref<1x128xi32, #tpu.memory_space<vmem>> -> memref<128xi32, #tpu.memory_space<vmem>>
    %dma_start3A_40 = arith.constant 0 : i32
    %dma_start3A_41 = arith.constant 0 : i32
    %dma_start3A_42 = tpu.memref_slice %arg12[%dma_start3A_40, %dma_start3A_41] : memref<10016x64xbf16, #tpu.memory_space<vmem_shared>> -> memref<10016x64xbf16, #tpu.memory_space<vmem_shared>>
    tpu.enqueue_indirect_dma source(%dma_start3A_42 : memref<10016x64xbf16, #tpu.memory_space<vmem_shared>>) target(%dma_start3A_36 : memref<128x64xbf16, #tpu.memory_space<vmem>>) offsets(%dma_start3A_39 : memref<128xi32, #tpu.memory_space<vmem>>) semaphore(%arg15 : memref<!tpu.dma_semaphore, #tpu.memory_space<semaphore_mem>>)
    %dma_start3A_43 = arith.constant 3 : i32
    %dma_start3A_44 = arith.constant 3 : i32
    %dma_start3A_45 = arith.constant 0 : i32
    %dma_start3A_46 = arith.constant 0 : i32
    %dma_start3A_47 = tpu.memref_slice %arg10[%dma_start3A_44, %dma_start3A_45, %dma_start3A_46] : memref<4x128x64xbf16, #tpu.memory_space<vmem>> -> memref<1x128x64xbf16, #tpu.memory_space<vmem>>
    %dma_start3A_48 = tpu.memref_squeeze %dma_start3A_47 : memref<1x128x64xbf16, #tpu.memory_space<vmem>> -> memref<128x64xbf16, #tpu.memory_space<vmem>>
    %dma_start3A_49 = arith.constant 0 : i32
    %dma_start3A_50 = tpu.memref_slice %arg8[%dma_start3A_43, %dma_start3A_49] : memref<160x128xi32, #tpu.memory_space<vmem>> -> memref<1x128xi32, #tpu.memory_space<vmem>>
    %dma_start3A_51 = tpu.memref_squeeze %dma_start3A_50 : memref<1x128xi32, #tpu.memory_space<vmem>> -> memref<128xi32, #tpu.memory_space<vmem>>
    %dma_start3A_52 = arith.constant 0 : i32
    %dma_start3A_53 = arith.constant 0 : i32
    %dma_start3A_54 = tpu.memref_slice %arg12[%dma_start3A_52, %dma_start3A_53] : memref<10016x64xbf16, #tpu.memory_space<vmem_shared>> -> memref<10016x64xbf16, #tpu.memory_space<vmem_shared>>
    tpu.enqueue_indirect_dma source(%dma_start3A_54 : memref<10016x64xbf16, #tpu.memory_space<vmem_shared>>) target(%dma_start3A_48 : memref<128x64xbf16, #tpu.memory_space<vmem>>) offsets(%dma_start3A_51 : memref<128xi32, #tpu.memory_space<vmem>>) semaphore(%arg16 : memref<!tpu.dma_semaphore, #tpu.memory_space<semaphore_mem>>)
    %scan3A = arith.constant 0 : i32
    %scan3A_55 = arith.constant 0 : i32
    %scan3A_56 = arith.constant 1 : i32
    %scan3A_57 = arith.constant 2 : i32
    %scan3A_58 = arith.constant 3 : i32
    %scan3A_59 = arith.constant 0 : i32
    %scan3A_60 = arith.constant 40 : i32
    %scan3A_61 = arith.addi %scan3A_59, %scan3A_60 : i32
    %scan3A_62 = arith.constant 1 : i32
    scf.for %scan3A_77 = %scan3A_59 to %scan3A_61 step %scan3A_62  : i32 {
      %mul3A_78 = arith.constant 4 : i32
      %mul3A_79 = arith.muli %mul3A_78, %scan3A_77 : i32
      %add3A = arith.constant 0 : i32
      %add3A_80 = arith.addi %mul3A_79, %add3A : i32
      %dma_wait3A = arith.constant 0 : i32
      %dma_wait3A_81 = arith.constant 0 : i32
      %dma_wait3A_82 = tpu.memref_slice %arg10[%scan3A_55, %dma_wait3A, %dma_wait3A_81] : memref<4x128x64xbf16, #tpu.memory_space<vmem>> -> memref<1x128x64xbf16, #tpu.memory_space<vmem>>
      %dma_wait3A_83 = tpu.memref_squeeze %dma_wait3A_82 : memref<1x128x64xbf16, #tpu.memory_space<vmem>> -> memref<128x64xbf16, #tpu.memory_space<vmem>>
      %dma_wait3A_84 = arith.constant 0 : i32
      %dma_wait3A_85 = tpu.memref_slice %arg8[%add3A_80, %dma_wait3A_84] : memref<160x128xi32, #tpu.memory_space<vmem>> -> memref<1x128xi32, #tpu.memory_space<vmem>>
      %dma_wait3A_86 = tpu.memref_squeeze %dma_wait3A_85 : memref<1x128xi32, #tpu.memory_space<vmem>> -> memref<128xi32, #tpu.memory_space<vmem>>
      %dma_wait3A_87 = arith.constant 0 : i32
      %dma_wait3A_88 = arith.constant 0 : i32
      %dma_wait3A_89 = tpu.memref_slice %arg12[%dma_wait3A_87, %dma_wait3A_88] : memref<10016x64xbf16, #tpu.memory_space<vmem_shared>> -> memref<10016x64xbf16, #tpu.memory_space<vmem_shared>>
      tpu.wait_indirect_dma semaphore(%arg13 : memref<!tpu.dma_semaphore, #tpu.memory_space<semaphore_mem>>) src(%dma_wait3A_89 : memref<10016x64xbf16, #tpu.memory_space<vmem_shared>>) dst(%dma_wait3A_83 : memref<128x64xbf16, #tpu.memory_space<vmem>>)
      %jit3A = arith.constant 2 : i32
      %eq3A_90 = arith.constant 0 : i32
      %eq3A_91 = arith.cmpi eq, %jit3A, %eq3A_90 : i32
      %jit3A_92 = arith.constant 1 : i32
      %select_n3A = arith.select %eq3A_91, %jit3A_92, %jit3A : i32
      %rem3A = arith.remsi %arg1, %select_n3A : i32
      %ne3A = arith.constant 0 : i32
      %ne3A_93 = arith.cmpi ne, %rem3A, %ne3A : i32
      %lt3A = arith.constant 0 : i32
      %lt3A_94 = arith.cmpi slt, %rem3A, %lt3A : i32
      %lt3A_95 = arith.constant 0 : i32
      %lt3A_96 = arith.cmpi slt, %select_n3A, %lt3A_95 : i32
      %ne3A_97 = arith.xori %lt3A_94, %lt3A_96 : i1
      %and3A = arith.andi %ne3A_97, %ne3A_93 : i1
      %add3A_98 = arith.addi %rem3A, %select_n3A : i32
      %select_n3A_99 = arith.select %and3A, %add3A_98, %rem3A : i32
      %dma_start3A_100 = arith.constant 0 : i32
      %dma_start3A_101 = arith.constant 0 : i32
      %dma_start3A_102 = tpu.memref_slice %arg10[%scan3A_55, %dma_start3A_100, %dma_start3A_101] : memref<4x128x64xbf16, #tpu.memory_space<vmem>> -> memref<1x128x64xbf16, #tpu.memory_space<vmem>>
      %dma_start3A_103 = tpu.memref_squeeze %dma_start3A_102 : memref<1x128x64xbf16, #tpu.memory_space<vmem>> -> memref<128x64xbf16, #tpu.memory_space<vmem>>
      %dma_start3A_104 = arith.constant 0 : i32
      %dma_start3A_105 = tpu.memref_slice %arg9[%add3A_80, %dma_start3A_104] : memref<160x128xi32, #tpu.memory_space<vmem>> -> memref<1x128xi32, #tpu.memory_space<vmem>>
      %dma_start3A_106 = tpu.memref_squeeze %dma_start3A_105 : memref<1x128xi32, #tpu.memory_space<vmem>> -> memref<128xi32, #tpu.memory_space<vmem>>
      %dma_start3A_107 = arith.constant 0 : i32
      %dma_start3A_108 = arith.constant 0 : i32
      %dma_start3A_109 = tpu.memref_slice %arg11[%select_n3A_99, %dma_start3A_107, %dma_start3A_108] : memref<2x10240x64xbf16, #tpu.memory_space<vmem_shared>> -> memref<1x10240x64xbf16, #tpu.memory_space<vmem_shared>>
      %dma_start3A_110 = tpu.memref_squeeze %dma_start3A_109 : memref<1x10240x64xbf16, #tpu.memory_space<vmem_shared>> -> memref<10240x64xbf16, #tpu.memory_space<vmem_shared>>
      %dma_start3A_111 = arith.constant 0 : i32
      %dma_start3A_112 = arith.constant 0 : i32
      %dma_start3A_113 = tpu.memref_slice %dma_start3A_110[%dma_start3A_111, %dma_start3A_112] : memref<10240x64xbf16, #tpu.memory_space<vmem_shared>> -> memref<10240x64xbf16, #tpu.memory_space<vmem_shared>>
      tpu.enqueue_indirect_dma source(%dma_start3A_103 : memref<128x64xbf16, #tpu.memory_space<vmem>>) target(%dma_start3A_113 : memref<10240x64xbf16, #tpu.memory_space<vmem_shared>>) offsets(%dma_start3A_106 : memref<128xi32, #tpu.memory_space<vmem>>) semaphore(%arg17 : memref<!tpu.dma_semaphore, #tpu.memory_space<semaphore_mem>>) {add = true}
      %dma_wait3A_114 = arith.constant 0 : i32
      %dma_wait3A_115 = arith.constant 0 : i32
      %dma_wait3A_116 = tpu.memref_slice %arg10[%scan3A_55, %dma_wait3A_114, %dma_wait3A_115] : memref<4x128x64xbf16, #tpu.memory_space<vmem>> -> memref<1x128x64xbf16, #tpu.memory_space<vmem>>
      %dma_wait3A_117 = tpu.memref_squeeze %dma_wait3A_116 : memref<1x128x64xbf16, #tpu.memory_space<vmem>> -> memref<128x64xbf16, #tpu.memory_space<vmem>>
      %dma_wait3A_118 = arith.constant 0 : i32
      %dma_wait3A_119 = tpu.memref_slice %arg9[%add3A_80, %dma_wait3A_118] : memref<160x128xi32, #tpu.memory_space<vmem>> -> memref<1x128xi32, #tpu.memory_space<vmem>>
      %dma_wait3A_120 = tpu.memref_squeeze %dma_wait3A_119 : memref<1x128xi32, #tpu.memory_space<vmem>> -> memref<128xi32, #tpu.memory_space<vmem>>
      %dma_wait3A_121 = arith.constant 0 : i32
      %dma_wait3A_122 = arith.constant 0 : i32
      %dma_wait3A_123 = tpu.memref_slice %arg11[%select_n3A_99, %dma_wait3A_121, %dma_wait3A_122] : memref<2x10240x64xbf16, #tpu.memory_space<vmem_shared>> -> memref<1x10240x64xbf16, #tpu.memory_space<vmem_shared>>
      %dma_wait3A_124 = tpu.memref_squeeze %dma_wait3A_123 : memref<1x10240x64xbf16, #tpu.memory_space<vmem_shared>> -> memref<10240x64xbf16, #tpu.memory_space<vmem_shared>>
      %dma_wait3A_125 = arith.constant 0 : i32
      %dma_wait3A_126 = arith.constant 0 : i32
      %dma_wait3A_127 = tpu.memref_slice %dma_wait3A_124[%dma_wait3A_125, %dma_wait3A_126] : memref<10240x64xbf16, #tpu.memory_space<vmem_shared>> -> memref<10240x64xbf16, #tpu.memory_space<vmem_shared>>
      tpu.wait_indirect_dma semaphore(%arg17 : memref<!tpu.dma_semaphore, #tpu.memory_space<semaphore_mem>>) src(%dma_wait3A_117 : memref<128x64xbf16, #tpu.memory_space<vmem>>) dst(%dma_wait3A_127 : memref<10240x64xbf16, #tpu.memory_space<vmem_shared>>)
      %add3A_128 = arith.constant 4 : i32
      %add3A_129 = arith.addi %add3A_80, %add3A_128 : i32
      %lt3A_130 = arith.constant 160 : i32
      %lt3A_131 = arith.cmpi slt, %add3A_129, %lt3A_130 : i32
      %convert_element_type3A_132 = arith.extui %lt3A_131 : i1 to i32
      %cond3A_133 = arith.constant 0 : i32
      %cond3A_134 = arith.cmpi ne, %convert_element_type3A_132, %cond3A_133 : i32
      scf.if %cond3A_134 {
        %add3A_330 = arith.constant 4 : i32
        %add3A_331 = arith.addi %add3A_80, %add3A_330 : i32
        %dma_start3A_332 = arith.constant 0 : i32
        %dma_start3A_333 = arith.constant 0 : i32
        %dma_start3A_334 = tpu.memref_slice %arg10[%scan3A_55, %dma_start3A_332, %dma_start3A_333] : memref<4x128x64xbf16, #tpu.memory_space<vmem>> -> memref<1x128x64xbf16, #tpu.memory_space<vmem>>
        %dma_start3A_335 = tpu.memref_squeeze %dma_start3A_334 : memref<1x128x64xbf16, #tpu.memory_space<vmem>> -> memref<128x64xbf16, #tpu.memory_space<vmem>>
        %dma_start3A_336 = arith.constant 0 : i32
        %dma_start3A_337 = tpu.memref_slice %arg8[%add3A_331, %dma_start3A_336] : memref<160x128xi32, #tpu.memory_space<vmem>> -> memref<1x128xi32, #tpu.memory_space<vmem>>
        %dma_start3A_338 = tpu.memref_squeeze %dma_start3A_337 : memref<1x128xi32, #tpu.memory_space<vmem>> -> memref<128xi32, #tpu.memory_space<vmem>>
        %dma_start3A_339 = arith.constant 0 : i32
        %dma_start3A_340 = arith.constant 0 : i32
        %dma_start3A_341 = tpu.memref_slice %arg12[%dma_start3A_339, %dma_start3A_340] : memref<10016x64xbf16, #tpu.memory_space<vmem_shared>> -> memref<10016x64xbf16, #tpu.memory_space<vmem_shared>>
        tpu.enqueue_indirect_dma source(%dma_start3A_341 : memref<10016x64xbf16, #tpu.memory_space<vmem_shared>>) target(%dma_start3A_335 : memref<128x64xbf16, #tpu.memory_space<vmem>>) offsets(%dma_start3A_338 : memref<128xi32, #tpu.memory_space<vmem>>) semaphore(%arg13 : memref<!tpu.dma_semaphore, #tpu.memory_space<semaphore_mem>>)
      } else {
      }
      %mul3A_135 = arith.constant 4 : i32
      %mul3A_136 = arith.muli %mul3A_135, %scan3A_77 : i32
      %add3A_137 = arith.constant 1 : i32
      %add3A_138 = arith.addi %mul3A_136, %add3A_137 : i32
      %dma_wait3A_139 = arith.constant 0 : i32
      %dma_wait3A_140 = arith.constant 0 : i32
      %dma_wait3A_141 = tpu.memref_slice %arg10[%scan3A_56, %dma_wait3A_139, %dma_wait3A_140] : memref<4x128x64xbf16, #tpu.memory_space<vmem>> -> memref<1x128x64xbf16, #tpu.memory_space<vmem>>
      %dma_wait3A_142 = tpu.memref_squeeze %dma_wait3A_141 : memref<1x128x64xbf16, #tpu.memory_space<vmem>> -> memref<128x64xbf16, #tpu.memory_space<vmem>>
      %dma_wait3A_143 = arith.constant 0 : i32
      %dma_wait3A_144 = tpu.memref_slice %arg8[%add3A_138, %dma_wait3A_143] : memref<160x128xi32, #tpu.memory_space<vmem>> -> memref<1x128xi32, #tpu.memory_space<vmem>>
      %dma_wait3A_145 = tpu.memref_squeeze %dma_wait3A_144 : memref<1x128xi32, #tpu.memory_space<vmem>> -> memref<128xi32, #tpu.memory_space<vmem>>
      %dma_wait3A_146 = arith.constant 0 : i32
      %dma_wait3A_147 = arith.constant 0 : i32
      %dma_wait3A_148 = tpu.memref_slice %arg12[%dma_wait3A_146, %dma_wait3A_147] : memref<10016x64xbf16, #tpu.memory_space<vmem_shared>> -> memref<10016x64xbf16, #tpu.memory_space<vmem_shared>>
      tpu.wait_indirect_dma semaphore(%arg14 : memref<!tpu.dma_semaphore, #tpu.memory_space<semaphore_mem>>) src(%dma_wait3A_148 : memref<10016x64xbf16, #tpu.memory_space<vmem_shared>>) dst(%dma_wait3A_142 : memref<128x64xbf16, #tpu.memory_space<vmem>>)
      %jit3A_149 = arith.constant 2 : i32
      %eq3A_150 = arith.constant 0 : i32
      %eq3A_151 = arith.cmpi eq, %jit3A_149, %eq3A_150 : i32
      %jit3A_152 = arith.constant 1 : i32
      %select_n3A_153 = arith.select %eq3A_151, %jit3A_152, %jit3A_149 : i32
      %rem3A_154 = arith.remsi %arg1, %select_n3A_153 : i32
      %ne3A_155 = arith.constant 0 : i32
      %ne3A_156 = arith.cmpi ne, %rem3A_154, %ne3A_155 : i32
      %lt3A_157 = arith.constant 0 : i32
      %lt3A_158 = arith.cmpi slt, %rem3A_154, %lt3A_157 : i32
      %lt3A_159 = arith.constant 0 : i32
      %lt3A_160 = arith.cmpi slt, %select_n3A_153, %lt3A_159 : i32
      %ne3A_161 = arith.xori %lt3A_158, %lt3A_160 : i1
      %and3A_162 = arith.andi %ne3A_161, %ne3A_156 : i1
      %add3A_163 = arith.addi %rem3A_154, %select_n3A_153 : i32
      %select_n3A_164 = arith.select %and3A_162, %add3A_163, %rem3A_154 : i32
      %dma_start3A_165 = arith.constant 0 : i32
      %dma_start3A_166 = arith.constant 0 : i32
      %dma_start3A_167 = tpu.memref_slice %arg10[%scan3A_56, %dma_start3A_165, %dma_start3A_166] : memref<4x128x64xbf16, #tpu.memory_space<vmem>> -> memref<1x128x64xbf16, #tpu.memory_space<vmem>>
      %dma_start3A_168 = tpu.memref_squeeze %dma_start3A_167 : memref<1x128x64xbf16, #tpu.memory_space<vmem>> -> memref<128x64xbf16, #tpu.memory_space<vmem>>
      %dma_start3A_169 = arith.constant 0 : i32
      %dma_start3A_170 = tpu.memref_slice %arg9[%add3A_138, %dma_start3A_169] : memref<160x128xi32, #tpu.memory_space<vmem>> -> memref<1x128xi32, #tpu.memory_space<vmem>>
      %dma_start3A_171 = tpu.memref_squeeze %dma_start3A_170 : memref<1x128xi32, #tpu.memory_space<vmem>> -> memref<128xi32, #tpu.memory_space<vmem>>
      %dma_start3A_172 = arith.constant 0 : i32
      %dma_start3A_173 = arith.constant 0 : i32
      %dma_start3A_174 = tpu.memref_slice %arg11[%select_n3A_164, %dma_start3A_172, %dma_start3A_173] : memref<2x10240x64xbf16, #tpu.memory_space<vmem_shared>> -> memref<1x10240x64xbf16, #tpu.memory_space<vmem_shared>>
      %dma_start3A_175 = tpu.memref_squeeze %dma_start3A_174 : memref<1x10240x64xbf16, #tpu.memory_space<vmem_shared>> -> memref<10240x64xbf16, #tpu.memory_space<vmem_shared>>
      %dma_start3A_176 = arith.constant 0 : i32
      %dma_start3A_177 = arith.constant 0 : i32
      %dma_start3A_178 = tpu.memref_slice %dma_start3A_175[%dma_start3A_176, %dma_start3A_177] : memref<10240x64xbf16, #tpu.memory_space<vmem_shared>> -> memref<10240x64xbf16, #tpu.memory_space<vmem_shared>>
      tpu.enqueue_indirect_dma source(%dma_start3A_168 : memref<128x64xbf16, #tpu.memory_space<vmem>>) target(%dma_start3A_178 : memref<10240x64xbf16, #tpu.memory_space<vmem_shared>>) offsets(%dma_start3A_171 : memref<128xi32, #tpu.memory_space<vmem>>) semaphore(%arg18 : memref<!tpu.dma_semaphore, #tpu.memory_space<semaphore_mem>>) {add = true}
      %dma_wait3A_179 = arith.constant 0 : i32
      %dma_wait3A_180 = arith.constant 0 : i32
      %dma_wait3A_181 = tpu.memref_slice %arg10[%scan3A_56, %dma_wait3A_179, %dma_wait3A_180] : memref<4x128x64xbf16, #tpu.memory_space<vmem>> -> memref<1x128x64xbf16, #tpu.memory_space<vmem>>
      %dma_wait3A_182 = tpu.memref_squeeze %dma_wait3A_181 : memref<1x128x64xbf16, #tpu.memory_space<vmem>> -> memref<128x64xbf16, #tpu.memory_space<vmem>>
      %dma_wait3A_183 = arith.constant 0 : i32
      %dma_wait3A_184 = tpu.memref_slice %arg9[%add3A_138, %dma_wait3A_183] : memref<160x128xi32, #tpu.memory_space<vmem>> -> memref<1x128xi32, #tpu.memory_space<vmem>>
      %dma_wait3A_185 = tpu.memref_squeeze %dma_wait3A_184 : memref<1x128xi32, #tpu.memory_space<vmem>> -> memref<128xi32, #tpu.memory_space<vmem>>
      %dma_wait3A_186 = arith.constant 0 : i32
      %dma_wait3A_187 = arith.constant 0 : i32
      %dma_wait3A_188 = tpu.memref_slice %arg11[%select_n3A_164, %dma_wait3A_186, %dma_wait3A_187] : memref<2x10240x64xbf16, #tpu.memory_space<vmem_shared>> -> memref<1x10240x64xbf16, #tpu.memory_space<vmem_shared>>
      %dma_wait3A_189 = tpu.memref_squeeze %dma_wait3A_188 : memref<1x10240x64xbf16, #tpu.memory_space<vmem_shared>> -> memref<10240x64xbf16, #tpu.memory_space<vmem_shared>>
      %dma_wait3A_190 = arith.constant 0 : i32
      %dma_wait3A_191 = arith.constant 0 : i32
      %dma_wait3A_192 = tpu.memref_slice %dma_wait3A_189[%dma_wait3A_190, %dma_wait3A_191] : memref<10240x64xbf16, #tpu.memory_space<vmem_shared>> -> memref<10240x64xbf16, #tpu.memory_space<vmem_shared>>
      tpu.wait_indirect_dma semaphore(%arg18 : memref<!tpu.dma_semaphore, #tpu.memory_space<semaphore_mem>>) src(%dma_wait3A_182 : memref<128x64xbf16, #tpu.memory_space<vmem>>) dst(%dma_wait3A_192 : memref<10240x64xbf16, #tpu.memory_space<vmem_shared>>)
      %add3A_193 = arith.constant 4 : i32
      %add3A_194 = arith.addi %add3A_138, %add3A_193 : i32
      %lt3A_195 = arith.constant 160 : i32
      %lt3A_196 = arith.cmpi slt, %add3A_194, %lt3A_195 : i32
      %convert_element_type3A_197 = arith.extui %lt3A_196 : i1 to i32
      %cond3A_198 = arith.constant 0 : i32
      %cond3A_199 = arith.cmpi ne, %convert_element_type3A_197, %cond3A_198 : i32
      scf.if %cond3A_199 {
        %add3A_330 = arith.constant 4 : i32
        %add3A_331 = arith.addi %add3A_138, %add3A_330 : i32
        %dma_start3A_332 = arith.constant 0 : i32
        %dma_start3A_333 = arith.constant 0 : i32
        %dma_start3A_334 = tpu.memref_slice %arg10[%scan3A_56, %dma_start3A_332, %dma_start3A_333] : memref<4x128x64xbf16, #tpu.memory_space<vmem>> -> memref<1x128x64xbf16, #tpu.memory_space<vmem>>
        %dma_start3A_335 = tpu.memref_squeeze %dma_start3A_334 : memref<1x128x64xbf16, #tpu.memory_space<vmem>> -> memref<128x64xbf16, #tpu.memory_space<vmem>>
        %dma_start3A_336 = arith.constant 0 : i32
        %dma_start3A_337 = tpu.memref_slice %arg8[%add3A_331, %dma_start3A_336] : memref<160x128xi32, #tpu.memory_space<vmem>> -> memref<1x128xi32, #tpu.memory_space<vmem>>
        %dma_start3A_338 = tpu.memref_squeeze %dma_start3A_337 : memref<1x128xi32, #tpu.memory_space<vmem>> -> memref<128xi32, #tpu.memory_space<vmem>>
        %dma_start3A_339 = arith.constant 0 : i32
        %dma_start3A_340 = arith.constant 0 : i32
        %dma_start3A_341 = tpu.memref_slice %arg12[%dma_start3A_339, %dma_start3A_340] : memref<10016x64xbf16, #tpu.memory_space<vmem_shared>> -> memref<10016x64xbf16, #tpu.memory_space<vmem_shared>>
        tpu.enqueue_indirect_dma source(%dma_start3A_341 : memref<10016x64xbf16, #tpu.memory_space<vmem_shared>>) target(%dma_start3A_335 : memref<128x64xbf16, #tpu.memory_space<vmem>>) offsets(%dma_start3A_338 : memref<128xi32, #tpu.memory_space<vmem>>) semaphore(%arg14 : memref<!tpu.dma_semaphore, #tpu.memory_space<semaphore_mem>>)
      } else {
      }
      %mul3A_200 = arith.constant 4 : i32
      %mul3A_201 = arith.muli %mul3A_200, %scan3A_77 : i32
      %add3A_202 = arith.constant 2 : i32
      %add3A_203 = arith.addi %mul3A_201, %add3A_202 : i32
      %dma_wait3A_204 = arith.constant 0 : i32
      %dma_wait3A_205 = arith.constant 0 : i32
      %dma_wait3A_206 = tpu.memref_slice %arg10[%scan3A_57, %dma_wait3A_204, %dma_wait3A_205] : memref<4x128x64xbf16, #tpu.memory_space<vmem>> -> memref<1x128x64xbf16, #tpu.memory_space<vmem>>
      %dma_wait3A_207 = tpu.memref_squeeze %dma_wait3A_206 : memref<1x128x64xbf16, #tpu.memory_space<vmem>> -> memref<128x64xbf16, #tpu.memory_space<vmem>>
      %dma_wait3A_208 = arith.constant 0 : i32
      %dma_wait3A_209 = tpu.memref_slice %arg8[%add3A_203, %dma_wait3A_208] : memref<160x128xi32, #tpu.memory_space<vmem>> -> memref<1x128xi32, #tpu.memory_space<vmem>>
      %dma_wait3A_210 = tpu.memref_squeeze %dma_wait3A_209 : memref<1x128xi32, #tpu.memory_space<vmem>> -> memref<128xi32, #tpu.memory_space<vmem>>
      %dma_wait3A_211 = arith.constant 0 : i32
      %dma_wait3A_212 = arith.constant 0 : i32
      %dma_wait3A_213 = tpu.memref_slice %arg12[%dma_wait3A_211, %dma_wait3A_212] : memref<10016x64xbf16, #tpu.memory_space<vmem_shared>> -> memref<10016x64xbf16, #tpu.memory_space<vmem_shared>>
      tpu.wait_indirect_dma semaphore(%arg15 : memref<!tpu.dma_semaphore, #tpu.memory_space<semaphore_mem>>) src(%dma_wait3A_213 : memref<10016x64xbf16, #tpu.memory_space<vmem_shared>>) dst(%dma_wait3A_207 : memref<128x64xbf16, #tpu.memory_space<vmem>>)
      %jit3A_214 = arith.constant 2 : i32
      %eq3A_215 = arith.constant 0 : i32
      %eq3A_216 = arith.cmpi eq, %jit3A_214, %eq3A_215 : i32
      %jit3A_217 = arith.constant 1 : i32
      %select_n3A_218 = arith.select %eq3A_216, %jit3A_217, %jit3A_214 : i32
      %rem3A_219 = arith.remsi %arg1, %select_n3A_218 : i32
      %ne3A_220 = arith.constant 0 : i32
      %ne3A_221 = arith.cmpi ne, %rem3A_219, %ne3A_220 : i32
      %lt3A_222 = arith.constant 0 : i32
      %lt3A_223 = arith.cmpi slt, %rem3A_219, %lt3A_222 : i32
      %lt3A_224 = arith.constant 0 : i32
      %lt3A_225 = arith.cmpi slt, %select_n3A_218, %lt3A_224 : i32
      %ne3A_226 = arith.xori %lt3A_223, %lt3A_225 : i1
      %and3A_227 = arith.andi %ne3A_226, %ne3A_221 : i1
      %add3A_228 = arith.addi %rem3A_219, %select_n3A_218 : i32
      %select_n3A_229 = arith.select %and3A_227, %add3A_228, %rem3A_219 : i32
      %dma_start3A_230 = arith.constant 0 : i32
      %dma_start3A_231 = arith.constant 0 : i32
      %dma_start3A_232 = tpu.memref_slice %arg10[%scan3A_57, %dma_start3A_230, %dma_start3A_231] : memref<4x128x64xbf16, #tpu.memory_space<vmem>> -> memref<1x128x64xbf16, #tpu.memory_space<vmem>>
      %dma_start3A_233 = tpu.memref_squeeze %dma_start3A_232 : memref<1x128x64xbf16, #tpu.memory_space<vmem>> -> memref<128x64xbf16, #tpu.memory_space<vmem>>
      %dma_start3A_234 = arith.constant 0 : i32
      %dma_start3A_235 = tpu.memref_slice %arg9[%add3A_203, %dma_start3A_234] : memref<160x128xi32, #tpu.memory_space<vmem>> -> memref<1x128xi32, #tpu.memory_space<vmem>>
      %dma_start3A_236 = tpu.memref_squeeze %dma_start3A_235 : memref<1x128xi32, #tpu.memory_space<vmem>> -> memref<128xi32, #tpu.memory_space<vmem>>
      %dma_start3A_237 = arith.constant 0 : i32
      %dma_start3A_238 = arith.constant 0 : i32
      %dma_start3A_239 = tpu.memref_slice %arg11[%select_n3A_229, %dma_start3A_237, %dma_start3A_238] : memref<2x10240x64xbf16, #tpu.memory_space<vmem_shared>> -> memref<1x10240x64xbf16, #tpu.memory_space<vmem_shared>>
      %dma_start3A_240 = tpu.memref_squeeze %dma_start3A_239 : memref<1x10240x64xbf16, #tpu.memory_space<vmem_shared>> -> memref<10240x64xbf16, #tpu.memory_space<vmem_shared>>
      %dma_start3A_241 = arith.constant 0 : i32
      %dma_start3A_242 = arith.constant 0 : i32
      %dma_start3A_243 = tpu.memref_slice %dma_start3A_240[%dma_start3A_241, %dma_start3A_242] : memref<10240x64xbf16, #tpu.memory_space<vmem_shared>> -> memref<10240x64xbf16, #tpu.memory_space<vmem_shared>>
      tpu.enqueue_indirect_dma source(%dma_start3A_233 : memref<128x64xbf16, #tpu.memory_space<vmem>>) target(%dma_start3A_243 : memref<10240x64xbf16, #tpu.memory_space<vmem_shared>>) offsets(%dma_start3A_236 : memref<128xi32, #tpu.memory_space<vmem>>) semaphore(%arg19 : memref<!tpu.dma_semaphore, #tpu.memory_space<semaphore_mem>>) {add = true}
      %dma_wait3A_244 = arith.constant 0 : i32
      %dma_wait3A_245 = arith.constant 0 : i32
      %dma_wait3A_246 = tpu.memref_slice %arg10[%scan3A_57, %dma_wait3A_244, %dma_wait3A_245] : memref<4x128x64xbf16, #tpu.memory_space<vmem>> -> memref<1x128x64xbf16, #tpu.memory_space<vmem>>
      %dma_wait3A_247 = tpu.memref_squeeze %dma_wait3A_246 : memref<1x128x64xbf16, #tpu.memory_space<vmem>> -> memref<128x64xbf16, #tpu.memory_space<vmem>>
      %dma_wait3A_248 = arith.constant 0 : i32
      %dma_wait3A_249 = tpu.memref_slice %arg9[%add3A_203, %dma_wait3A_248] : memref<160x128xi32, #tpu.memory_space<vmem>> -> memref<1x128xi32, #tpu.memory_space<vmem>>
      %dma_wait3A_250 = tpu.memref_squeeze %dma_wait3A_249 : memref<1x128xi32, #tpu.memory_space<vmem>> -> memref<128xi32, #tpu.memory_space<vmem>>
      %dma_wait3A_251 = arith.constant 0 : i32
      %dma_wait3A_252 = arith.constant 0 : i32
      %dma_wait3A_253 = tpu.memref_slice %arg11[%select_n3A_229, %dma_wait3A_251, %dma_wait3A_252] : memref<2x10240x64xbf16, #tpu.memory_space<vmem_shared>> -> memref<1x10240x64xbf16, #tpu.memory_space<vmem_shared>>
      %dma_wait3A_254 = tpu.memref_squeeze %dma_wait3A_253 : memref<1x10240x64xbf16, #tpu.memory_space<vmem_shared>> -> memref<10240x64xbf16, #tpu.memory_space<vmem_shared>>
      %dma_wait3A_255 = arith.constant 0 : i32
      %dma_wait3A_256 = arith.constant 0 : i32
      %dma_wait3A_257 = tpu.memref_slice %dma_wait3A_254[%dma_wait3A_255, %dma_wait3A_256] : memref<10240x64xbf16, #tpu.memory_space<vmem_shared>> -> memref<10240x64xbf16, #tpu.memory_space<vmem_shared>>
      tpu.wait_indirect_dma semaphore(%arg19 : memref<!tpu.dma_semaphore, #tpu.memory_space<semaphore_mem>>) src(%dma_wait3A_247 : memref<128x64xbf16, #tpu.memory_space<vmem>>) dst(%dma_wait3A_257 : memref<10240x64xbf16, #tpu.memory_space<vmem_shared>>)
      %add3A_258 = arith.constant 4 : i32
      %add3A_259 = arith.addi %add3A_203, %add3A_258 : i32
      %lt3A_260 = arith.constant 160 : i32
      %lt3A_261 = arith.cmpi slt, %add3A_259, %lt3A_260 : i32
      %convert_element_type3A_262 = arith.extui %lt3A_261 : i1 to i32
      %cond3A_263 = arith.constant 0 : i32
      %cond3A_264 = arith.cmpi ne, %convert_element_type3A_262, %cond3A_263 : i32
      scf.if %cond3A_264 {
        %add3A_330 = arith.constant 4 : i32
        %add3A_331 = arith.addi %add3A_203, %add3A_330 : i32
        %dma_start3A_332 = arith.constant 0 : i32
        %dma_start3A_333 = arith.constant 0 : i32
        %dma_start3A_334 = tpu.memref_slice %arg10[%scan3A_57, %dma_start3A_332, %dma_start3A_333] : memref<4x128x64xbf16, #tpu.memory_space<vmem>> -> memref<1x128x64xbf16, #tpu.memory_space<vmem>>
        %dma_start3A_335 = tpu.memref_squeeze %dma_start3A_334 : memref<1x128x64xbf16, #tpu.memory_space<vmem>> -> memref<128x64xbf16, #tpu.memory_space<vmem>>
        %dma_start3A_336 = arith.constant 0 : i32
        %dma_start3A_337 = tpu.memref_slice %arg8[%add3A_331, %dma_start3A_336] : memref<160x128xi32, #tpu.memory_space<vmem>> -> memref<1x128xi32, #tpu.memory_space<vmem>>
        %dma_start3A_338 = tpu.memref_squeeze %dma_start3A_337 : memref<1x128xi32, #tpu.memory_space<vmem>> -> memref<128xi32, #tpu.memory_space<vmem>>
        %dma_start3A_339 = arith.constant 0 : i32
        %dma_start3A_340 = arith.constant 0 : i32
        %dma_start3A_341 = tpu.memref_slice %arg12[%dma_start3A_339, %dma_start3A_340] : memref<10016x64xbf16, #tpu.memory_space<vmem_shared>> -> memref<10016x64xbf16, #tpu.memory_space<vmem_shared>>
        tpu.enqueue_indirect_dma source(%dma_start3A_341 : memref<10016x64xbf16, #tpu.memory_space<vmem_shared>>) target(%dma_start3A_335 : memref<128x64xbf16, #tpu.memory_space<vmem>>) offsets(%dma_start3A_338 : memref<128xi32, #tpu.memory_space<vmem>>) semaphore(%arg15 : memref<!tpu.dma_semaphore, #tpu.memory_space<semaphore_mem>>)
      } else {
      }
      %mul3A_265 = arith.constant 4 : i32
      %mul3A_266 = arith.muli %mul3A_265, %scan3A_77 : i32
      %add3A_267 = arith.constant 3 : i32
      %add3A_268 = arith.addi %mul3A_266, %add3A_267 : i32
      %dma_wait3A_269 = arith.constant 0 : i32
      %dma_wait3A_270 = arith.constant 0 : i32
      %dma_wait3A_271 = tpu.memref_slice %arg10[%scan3A_58, %dma_wait3A_269, %dma_wait3A_270] : memref<4x128x64xbf16, #tpu.memory_space<vmem>> -> memref<1x128x64xbf16, #tpu.memory_space<vmem>>
      %dma_wait3A_272 = tpu.memref_squeeze %dma_wait3A_271 : memref<1x128x64xbf16, #tpu.memory_space<vmem>> -> memref<128x64xbf16, #tpu.memory_space<vmem>>
      %dma_wait3A_273 = arith.constant 0 : i32
      %dma_wait3A_274 = tpu.memref_slice %arg8[%add3A_268, %dma_wait3A_273] : memref<160x128xi32, #tpu.memory_space<vmem>> -> memref<1x128xi32, #tpu.memory_space<vmem>>
      %dma_wait3A_275 = tpu.memref_squeeze %dma_wait3A_274 : memref<1x128xi32, #tpu.memory_space<vmem>> -> memref<128xi32, #tpu.memory_space<vmem>>
      %dma_wait3A_276 = arith.constant 0 : i32
      %dma_wait3A_277 = arith.constant 0 : i32
      %dma_wait3A_278 = tpu.memref_slice %arg12[%dma_wait3A_276, %dma_wait3A_277] : memref<10016x64xbf16, #tpu.memory_space<vmem_shared>> -> memref<10016x64xbf16, #tpu.memory_space<vmem_shared>>
      tpu.wait_indirect_dma semaphore(%arg16 : memref<!tpu.dma_semaphore, #tpu.memory_space<semaphore_mem>>) src(%dma_wait3A_278 : memref<10016x64xbf16, #tpu.memory_space<vmem_shared>>) dst(%dma_wait3A_272 : memref<128x64xbf16, #tpu.memory_space<vmem>>)
      %jit3A_279 = arith.constant 2 : i32
      %eq3A_280 = arith.constant 0 : i32
      %eq3A_281 = arith.cmpi eq, %jit3A_279, %eq3A_280 : i32
      %jit3A_282 = arith.constant 1 : i32
      %select_n3A_283 = arith.select %eq3A_281, %jit3A_282, %jit3A_279 : i32
      %rem3A_284 = arith.remsi %arg1, %select_n3A_283 : i32
      %ne3A_285 = arith.constant 0 : i32
      %ne3A_286 = arith.cmpi ne, %rem3A_284, %ne3A_285 : i32
      %lt3A_287 = arith.constant 0 : i32
      %lt3A_288 = arith.cmpi slt, %rem3A_284, %lt3A_287 : i32
      %lt3A_289 = arith.constant 0 : i32
      %lt3A_290 = arith.cmpi slt, %select_n3A_283, %lt3A_289 : i32
      %ne3A_291 = arith.xori %lt3A_288, %lt3A_290 : i1
      %and3A_292 = arith.andi %ne3A_291, %ne3A_286 : i1
      %add3A_293 = arith.addi %rem3A_284, %select_n3A_283 : i32
      %select_n3A_294 = arith.select %and3A_292, %add3A_293, %rem3A_284 : i32
      %dma_start3A_295 = arith.constant 0 : i32
      %dma_start3A_296 = arith.constant 0 : i32
      %dma_start3A_297 = tpu.memref_slice %arg10[%scan3A_58, %dma_start3A_295, %dma_start3A_296] : memref<4x128x64xbf16, #tpu.memory_space<vmem>> -> memref<1x128x64xbf16, #tpu.memory_space<vmem>>
      %dma_start3A_298 = tpu.memref_squeeze %dma_start3A_297 : memref<1x128x64xbf16, #tpu.memory_space<vmem>> -> memref<128x64xbf16, #tpu.memory_space<vmem>>
      %dma_start3A_299 = arith.constant 0 : i32
      %dma_start3A_300 = tpu.memref_slice %arg9[%add3A_268, %dma_start3A_299] : memref<160x128xi32, #tpu.memory_space<vmem>> -> memref<1x128xi32, #tpu.memory_space<vmem>>
      %dma_start3A_301 = tpu.memref_squeeze %dma_start3A_300 : memref<1x128xi32, #tpu.memory_space<vmem>> -> memref<128xi32, #tpu.memory_space<vmem>>
      %dma_start3A_302 = arith.constant 0 : i32
      %dma_start3A_303 = arith.constant 0 : i32
      %dma_start3A_304 = tpu.memref_slice %arg11[%select_n3A_294, %dma_start3A_302, %dma_start3A_303] : memref<2x10240x64xbf16, #tpu.memory_space<vmem_shared>> -> memref<1x10240x64xbf16, #tpu.memory_space<vmem_shared>>
      %dma_start3A_305 = tpu.memref_squeeze %dma_start3A_304 : memref<1x10240x64xbf16, #tpu.memory_space<vmem_shared>> -> memref<10240x64xbf16, #tpu.memory_space<vmem_shared>>
      %dma_start3A_306 = arith.constant 0 : i32
      %dma_start3A_307 = arith.constant 0 : i32
      %dma_start3A_308 = tpu.memref_slice %dma_start3A_305[%dma_start3A_306, %dma_start3A_307] : memref<10240x64xbf16, #tpu.memory_space<vmem_shared>> -> memref<10240x64xbf16, #tpu.memory_space<vmem_shared>>
      tpu.enqueue_indirect_dma source(%dma_start3A_298 : memref<128x64xbf16, #tpu.memory_space<vmem>>) target(%dma_start3A_308 : memref<10240x64xbf16, #tpu.memory_space<vmem_shared>>) offsets(%dma_start3A_301 : memref<128xi32, #tpu.memory_space<vmem>>) semaphore(%arg20 : memref<!tpu.dma_semaphore, #tpu.memory_space<semaphore_mem>>) {add = true}
      %dma_wait3A_309 = arith.constant 0 : i32
      %dma_wait3A_310 = arith.constant 0 : i32
      %dma_wait3A_311 = tpu.memref_slice %arg10[%scan3A_58, %dma_wait3A_309, %dma_wait3A_310] : memref<4x128x64xbf16, #tpu.memory_space<vmem>> -> memref<1x128x64xbf16, #tpu.memory_space<vmem>>
      %dma_wait3A_312 = tpu.memref_squeeze %dma_wait3A_311 : memref<1x128x64xbf16, #tpu.memory_space<vmem>> -> memref<128x64xbf16, #tpu.memory_space<vmem>>
      %dma_wait3A_313 = arith.constant 0 : i32
      %dma_wait3A_314 = tpu.memref_slice %arg9[%add3A_268, %dma_wait3A_313] : memref<160x128xi32, #tpu.memory_space<vmem>> -> memref<1x128xi32, #tpu.memory_space<vmem>>
      %dma_wait3A_315 = tpu.memref_squeeze %dma_wait3A_314 : memref<1x128xi32, #tpu.memory_space<vmem>> -> memref<128xi32, #tpu.memory_space<vmem>>
      %dma_wait3A_316 = arith.constant 0 : i32
      %dma_wait3A_317 = arith.constant 0 : i32
      %dma_wait3A_318 = tpu.memref_slice %arg11[%select_n3A_294, %dma_wait3A_316, %dma_wait3A_317] : memref<2x10240x64xbf16, #tpu.memory_space<vmem_shared>> -> memref<1x10240x64xbf16, #tpu.memory_space<vmem_shared>>
      %dma_wait3A_319 = tpu.memref_squeeze %dma_wait3A_318 : memref<1x10240x64xbf16, #tpu.memory_space<vmem_shared>> -> memref<10240x64xbf16, #tpu.memory_space<vmem_shared>>
      %dma_wait3A_320 = arith.constant 0 : i32
      %dma_wait3A_321 = arith.constant 0 : i32
      %dma_wait3A_322 = tpu.memref_slice %dma_wait3A_319[%dma_wait3A_320, %dma_wait3A_321] : memref<10240x64xbf16, #tpu.memory_space<vmem_shared>> -> memref<10240x64xbf16, #tpu.memory_space<vmem_shared>>
      tpu.wait_indirect_dma semaphore(%arg20 : memref<!tpu.dma_semaphore, #tpu.memory_space<semaphore_mem>>) src(%dma_wait3A_312 : memref<128x64xbf16, #tpu.memory_space<vmem>>) dst(%dma_wait3A_322 : memref<10240x64xbf16, #tpu.memory_space<vmem_shared>>)
      %add3A_323 = arith.constant 4 : i32
      %add3A_324 = arith.addi %add3A_268, %add3A_323 : i32
      %lt3A_325 = arith.constant 160 : i32
      %lt3A_326 = arith.cmpi slt, %add3A_324, %lt3A_325 : i32
      %convert_element_type3A_327 = arith.extui %lt3A_326 : i1 to i32
      %cond3A_328 = arith.constant 0 : i32
      %cond3A_329 = arith.cmpi ne, %convert_element_type3A_327, %cond3A_328 : i32
      scf.if %cond3A_329 {
        %add3A_330 = arith.constant 4 : i32
        %add3A_331 = arith.addi %add3A_268, %add3A_330 : i32
        %dma_start3A_332 = arith.constant 0 : i32
        %dma_start3A_333 = arith.constant 0 : i32
        %dma_start3A_334 = tpu.memref_slice %arg10[%scan3A_58, %dma_start3A_332, %dma_start3A_333] : memref<4x128x64xbf16, #tpu.memory_space<vmem>> -> memref<1x128x64xbf16, #tpu.memory_space<vmem>>
        %dma_start3A_335 = tpu.memref_squeeze %dma_start3A_334 : memref<1x128x64xbf16, #tpu.memory_space<vmem>> -> memref<128x64xbf16, #tpu.memory_space<vmem>>
        %dma_start3A_336 = arith.constant 0 : i32
        %dma_start3A_337 = tpu.memref_slice %arg8[%add3A_331, %dma_start3A_336] : memref<160x128xi32, #tpu.memory_space<vmem>> -> memref<1x128xi32, #tpu.memory_space<vmem>>
        %dma_start3A_338 = tpu.memref_squeeze %dma_start3A_337 : memref<1x128xi32, #tpu.memory_space<vmem>> -> memref<128xi32, #tpu.memory_space<vmem>>
        %dma_start3A_339 = arith.constant 0 : i32
        %dma_start3A_340 = arith.constant 0 : i32
        %dma_start3A_341 = tpu.memref_slice %arg12[%dma_start3A_339, %dma_start3A_340] : memref<10016x64xbf16, #tpu.memory_space<vmem_shared>> -> memref<10016x64xbf16, #tpu.memory_space<vmem_shared>>
        tpu.enqueue_indirect_dma source(%dma_start3A_341 : memref<10016x64xbf16, #tpu.memory_space<vmem_shared>>) target(%dma_start3A_335 : memref<128x64xbf16, #tpu.memory_space<vmem>>) offsets(%dma_start3A_338 : memref<128xi32, #tpu.memory_space<vmem>>) semaphore(%arg16 : memref<!tpu.dma_semaphore, #tpu.memory_space<semaphore_mem>>)
      } else {
      }
    }
    %scan3A_63 = arith.constant 40 : i32
    %barrier3A_64 = arith.constant 0 : index
    tpu.barrier barrier_id(%barrier3A_64)
    %mul3A_65 = arith.constant 640 : i32
    %mul3A_66 = arith.muli %arg1, %mul3A_65 : i32
    %mul3A_67 = arith.constant 640 : i32
    %mul3A_68 = arith.muli %arg1, %mul3A_67 : i32
    %run_scoped3A_69 = arith.constant 0 : i32
    %run_scoped3A_70 = arith.constant 0 : i32
    "tpu.region"() ({
      %run_scoped3A_77 = tpu.sem_alloc : memref<!tpu.dma_semaphore, #tpu.memory_space<semaphore_mem>>
      %dma_start3A_78 = arith.constant 0 : i32
      %dma_start3A_79 = tpu.memref_slice %arg7[%arg0, %run_scoped3A_70, %mul3A_68, %dma_start3A_78] : memref<2x2x10240x64xbf16, #tpu.memory_space<hbm>> -> memref<1x1x640x64xbf16, #tpu.memory_space<hbm>>
      %dma_start3A_80 = tpu.memref_squeeze %dma_start3A_79 : memref<1x1x640x64xbf16, #tpu.memory_space<hbm>> -> memref<640x64xbf16, #tpu.memory_space<hbm>>
      %dma_start3A_81 = arith.constant 0 : i32
      %dma_start3A_82 = tpu.memref_slice %arg11[%run_scoped3A_69, %mul3A_66, %dma_start3A_81] : memref<2x10240x64xbf16, #tpu.memory_space<vmem_shared>> -> memref<1x640x64xbf16, #tpu.memory_space<vmem_shared>>
      %dma_start3A_83 = tpu.memref_squeeze %dma_start3A_82 : memref<1x640x64xbf16, #tpu.memory_space<vmem_shared>> -> memref<640x64xbf16, #tpu.memory_space<vmem_shared>>
      tpu.enqueue_dma source(%dma_start3A_83 : memref<640x64xbf16, #tpu.memory_space<vmem_shared>>) target(%dma_start3A_80 : memref<640x64xbf16, #tpu.memory_space<hbm>>) target_semaphore(%run_scoped3A_77 : memref<!tpu.dma_semaphore, #tpu.memory_space<semaphore_mem>>)
      %dma_wait3A = arith.constant 0 : i32
      %dma_wait3A_84 = tpu.memref_slice %arg7[%arg0, %run_scoped3A_70, %mul3A_68, %dma_wait3A] : memref<2x2x10240x64xbf16, #tpu.memory_space<hbm>> -> memref<1x1x640x64xbf16, #tpu.memory_space<hbm>>
      %dma_wait3A_85 = tpu.memref_squeeze %dma_wait3A_84 : memref<1x1x640x64xbf16, #tpu.memory_space<hbm>> -> memref<640x64xbf16, #tpu.memory_space<hbm>>
      %dma_wait3A_86 = arith.constant 0 : i32
      %dma_wait3A_87 = tpu.memref_slice %arg11[%run_scoped3A_69, %mul3A_66, %dma_wait3A_86] : memref<2x10240x64xbf16, #tpu.memory_space<vmem_shared>> -> memref<1x640x64xbf16, #tpu.memory_space<vmem_shared>>
      %dma_wait3A_88 = tpu.memref_squeeze %dma_wait3A_87 : memref<1x640x64xbf16, #tpu.memory_space<vmem_shared>> -> memref<640x64xbf16, #tpu.memory_space<vmem_shared>>
      tpu.wait_dma2 semaphore(%run_scoped3A_77 : memref<!tpu.dma_semaphore, #tpu.memory_space<semaphore_mem>>) src(%dma_wait3A_88 : memref<640x64xbf16, #tpu.memory_space<vmem_shared>>) dst(%dma_wait3A_85 : memref<640x64xbf16, #tpu.memory_space<hbm>>)
      tpu.yield
    }) : () -> ()
    %mul3A_71 = arith.constant 640 : i32
    %mul3A_72 = arith.muli %arg1, %mul3A_71 : i32
    %mul3A_73 = arith.constant 640 : i32
    %mul3A_74 = arith.muli %arg1, %mul3A_73 : i32
    %run_scoped3A_75 = arith.constant 1 : i32
    %run_scoped3A_76 = arith.constant 1 : i32
    "tpu.region"() ({
      %run_scoped3A_77 = tpu.sem_alloc : memref<!tpu.dma_semaphore, #tpu.memory_space<semaphore_mem>>
      %dma_start3A_78 = arith.constant 0 : i32
      %dma_start3A_79 = tpu.memref_slice %arg7[%arg0, %run_scoped3A_76, %mul3A_74, %dma_start3A_78] : memref<2x2x10240x64xbf16, #tpu.memory_space<hbm>> -> memref<1x1x640x64xbf16, #tpu.memory_space<hbm>>
      %dma_start3A_80 = tpu.memref_squeeze %dma_start3A_79 : memref<1x1x640x64xbf16, #tpu.memory_space<hbm>> -> memref<640x64xbf16, #tpu.memory_space<hbm>>
      %dma_start3A_81 = arith.constant 0 : i32
      %dma_start3A_82 = tpu.memref_slice %arg11[%run_scoped3A_75, %mul3A_72, %dma_start3A_81] : memref<2x10240x64xbf16, #tpu.memory_space<vmem_shared>> -> memref<1x640x64xbf16, #tpu.memory_space<vmem_shared>>
      %dma_start3A_83 = tpu.memref_squeeze %dma_start3A_82 : memref<1x640x64xbf16, #tpu.memory_space<vmem_shared>> -> memref<640x64xbf16, #tpu.memory_space<vmem_shared>>
      tpu.enqueue_dma source(%dma_start3A_83 : memref<640x64xbf16, #tpu.memory_space<vmem_shared>>) target(%dma_start3A_80 : memref<640x64xbf16, #tpu.memory_space<hbm>>) target_semaphore(%run_scoped3A_77 : memref<!tpu.dma_semaphore, #tpu.memory_space<semaphore_mem>>)
      %dma_wait3A = arith.constant 0 : i32
      %dma_wait3A_84 = tpu.memref_slice %arg7[%arg0, %run_scoped3A_76, %mul3A_74, %dma_wait3A] : memref<2x2x10240x64xbf16, #tpu.memory_space<hbm>> -> memref<1x1x640x64xbf16, #tpu.memory_space<hbm>>
      %dma_wait3A_85 = tpu.memref_squeeze %dma_wait3A_84 : memref<1x1x640x64xbf16, #tpu.memory_space<hbm>> -> memref<640x64xbf16, #tpu.memory_space<hbm>>
      %dma_wait3A_86 = arith.constant 0 : i32
      %dma_wait3A_87 = tpu.memref_slice %arg11[%run_scoped3A_75, %mul3A_72, %dma_wait3A_86] : memref<2x10240x64xbf16, #tpu.memory_space<vmem_shared>> -> memref<1x640x64xbf16, #tpu.memory_space<vmem_shared>>
      %dma_wait3A_88 = tpu.memref_squeeze %dma_wait3A_87 : memref<1x640x64xbf16, #tpu.memory_space<vmem_shared>> -> memref<640x64xbf16, #tpu.memory_space<vmem_shared>>
      tpu.wait_dma2 semaphore(%run_scoped3A_77 : memref<!tpu.dma_semaphore, #tpu.memory_space<semaphore_mem>>) src(%dma_wait3A_88 : memref<640x64xbf16, #tpu.memory_space<vmem_shared>>) dst(%dma_wait3A_85 : memref<640x64xbf16, #tpu.memory_space<hbm>>)
      tpu.yield
    }) : () -> ()
    return
  }
}

module attributes {stable_mosaic.version = 14 : i64} {
  func.func @body(%arg0: i32, %arg1: memref<256x128xf32, #tpu.memory_space<vmem>>, %arg2: memref<32x256xf32, #tpu.memory_space<vmem>>, %arg3: memref<32x256xf32, #tpu.memory_space<vmem>>, %arg4: memref<128x128xf32, #tpu.memory_space<vmem>>, %arg5: memref<256x64xbf16, #tpu.memory_space<vmem>>, %arg6: memref<256x64xbf16, #tpu.memory_space<vmem>>, %arg7: memref<1x256xf32, #tpu.memory_space<vmem>>) attributes {dimension_semantics = [#tpu.dimension_semantics<arbitrary>], iteration_bounds = array<i64: 40>, scalar_prefetch = 0 : i64, scratch_operands = 0 : i64, tpu.core_type = #tpu.core_type<tc>, window_params = [{transform_indices = @transform_0, window_bounds = array<i64: 256, 128>}, {transform_indices = @transform_1, window_bounds = array<i64: 32, 256>}, {transform_indices = @transform_2, window_bounds = array<i64: 32, 256>}, {pipeline_mode = #tpu.pipeline_mode<synchronous>, transform_indices = @transform_3, window_bounds = array<i64: 128, 128>}, {transform_indices = @transform_4, window_bounds = array<i64: 256, 64>}, {transform_indices = @transform_5, window_bounds = array<i64: 256, 64>}, {transform_indices = @transform_6, window_bounds = array<i64: 1, 256>}]} {
    %get3A = arith.constant 0 : index
    %get3A_0 = arith.constant 0 : index
    %get3A_1 = vector.load %arg2[%get3A, %get3A_0] : memref<32x256xf32, #tpu.memory_space<vmem>>, vector<32x256xf32>
    %broadcast_in_dim3A = arith.constant 1.000000e+00 : f32
    %broadcast_in_dim3A_2 = vector.broadcast %broadcast_in_dim3A : f32 to vector<32x1xf32>
    %dot_general3A = arith.constant dense<0.000000e+00> : vector<256x1xf32>
    %dot_general3A_3 = tpu.matmul %get3A_1, %broadcast_in_dim3A_2, %dot_general3A {dimension_numbers = #tpu.dot_dimension_numbers<[0], [0], [1], [1], [0, 1, 1, 1], [], []>, transpose_lhs_hint = false} : vector<32x256xf32>, vector<32x1xf32>, vector<256x1xf32> -> vector<256x1xf32>
    %add3A = arith.constant 1.000000e+00 : f32
    %add3A_4 = vector.broadcast %add3A : f32 to vector<256x1xf32>
    %add3A_5 = arith.addf %dot_general3A_3, %add3A_4 : vector<256x1xf32>
    %rsqrt3A = math.rsqrt %add3A_5 : vector<256x1xf32>
    %get3A_6 = arith.constant 0 : index
    %get3A_7 = arith.constant 0 : index
    %get3A_8 = vector.load %arg3[%get3A_6, %get3A_7] : memref<32x256xf32, #tpu.memory_space<vmem>>, vector<32x256xf32>
    %reduce_sum3A = arith.constant dense<0.000000e+00> : vector<256xf32>
    %reduce_sum3A_9 = vector.multi_reduction <add>, %get3A_8, %reduce_sum3A [0] : vector<32x256xf32> to vector<256xf32>
    %broadcast_in_dim3A_10 = vector.shape_cast %reduce_sum3A_9 : vector<256xf32> to vector<1x256xf32>
    %add3A_11 = arith.constant 1.000000e+00 : f32
    %add3A_12 = vector.broadcast %add3A_11 : f32 to vector<1x256xf32>
    %add3A_13 = arith.addf %broadcast_in_dim3A_10, %add3A_12 : vector<1x256xf32>
    %rsqrt3A_14 = math.rsqrt %add3A_13 : vector<1x256xf32>
    %swap3A = arith.constant 0 : index
    %swap3A_15 = arith.constant 0 : index
    %swap3A_16 = vector.load %arg7[%swap3A, %swap3A_15] : memref<1x256xf32, #tpu.memory_space<vmem>>, vector<1x256xf32>
    tpu.vector_store %arg7[%swap3A, %swap3A_15], %rsqrt3A_14 {strides = array<i32>} : memref<1x256xf32, #tpu.memory_space<vmem>>, vector<1x256xf32>,
    %get3A_17 = arith.constant 0 : index
    %get3A_18 = arith.constant 0 : index
    %get3A_19 = vector.load %arg1[%get3A_17, %get3A_18] : memref<256x128xf32, #tpu.memory_space<vmem>>, vector<256x128xf32>
    %mul3A = vector.broadcast %rsqrt3A : vector<256x1xf32> to vector<256x128xf32>
    %mul3A_20 = arith.mulf %get3A_19, %mul3A : vector<256x128xf32>
    %get3A_21 = arith.constant 0 : index
    %get3A_22 = arith.constant 0 : index
    %get3A_23 = vector.load %arg4[%get3A_21, %get3A_22] : memref<128x128xf32, #tpu.memory_space<vmem>>, vector<128x128xf32>
    %dot_general3A_24 = arith.constant dense<0.000000e+00> : vector<256x128xf32>
    %dot_general3A_25 = tpu.matmul %mul3A_20, %get3A_23, %dot_general3A_24 {dimension_numbers = #tpu.dot_dimension_numbers<[1], [0], [0], [1], [0, 0, 1, 1], [], []>, transpose_lhs_hint = false} : vector<256x128xf32>, vector<128x128xf32>, vector<256x128xf32> -> vector<256x128xf32>
    %slice3A = vector.extract_strided_slice %dot_general3A_25 {offsets = [0, 0], sizes = [256, 64], strides = [1, 1]} : vector<256x128xf32> to vector<256x64xf32>
    %convert_element_type3A = arith.truncf %slice3A : vector<256x64xf32> to vector<256x64xbf16>
    %swap3A_26 = arith.constant 0 : index
    %swap3A_27 = arith.constant 0 : index
    %swap3A_28 = vector.load %arg5[%swap3A_26, %swap3A_27] : memref<256x64xbf16, #tpu.memory_space<vmem>>, vector<256x64xbf16>
    tpu.vector_store %arg5[%swap3A_26, %swap3A_27], %convert_element_type3A {strides = array<i32>} : memref<256x64xbf16, #tpu.memory_space<vmem>>, vector<256x64xbf16>,
    %slice3A_29 = vector.extract_strided_slice %dot_general3A_25 {offsets = [0, 64], sizes = [256, 64], strides = [1, 1]} : vector<256x128xf32> to vector<256x64xf32>
    %convert_element_type3A_30 = arith.truncf %slice3A_29 : vector<256x64xf32> to vector<256x64xbf16>
    %swap3A_31 = arith.constant 0 : index
    %swap3A_32 = arith.constant 0 : index
    %swap3A_33 = vector.load %arg6[%swap3A_31, %swap3A_32] : memref<256x64xbf16, #tpu.memory_space<vmem>>, vector<256x64xbf16>
    tpu.vector_store %arg6[%swap3A_31, %swap3A_32], %convert_element_type3A_30 {strides = array<i32>} : memref<256x64xbf16, #tpu.memory_space<vmem>>, vector<256x64xbf16>,
    return
  }
  func.func @transform_0(%arg0: i32) -> (i32, i32) {
    %c0_i32 = arith.constant 0 : i32
    %c0_i32_0 = arith.constant 0 : i32
    return %arg0, %c0_i32 : i32, i32
  }
  func.func @transform_1(%arg0: i32) -> (i32, i32) {
    %c0_i32 = arith.constant 0 : i32
    %c0_i32_0 = arith.constant 0 : i32
    return %c0_i32, %arg0 : i32, i32
  }
  func.func @transform_2(%arg0: i32) -> (i32, i32) {
    %c0_i32 = arith.constant 0 : i32
    %c0_i32_0 = arith.constant 0 : i32
    return %c0_i32, %arg0 : i32, i32
  }
  func.func @transform_3(%arg0: i32) -> (i32, i32) {
    %c0_i32 = arith.constant 0 : i32
    %c0_i32_0 = arith.constant 0 : i32
    %c0_i32_1 = arith.constant 0 : i32
    return %c0_i32, %c0_i32_0 : i32, i32
  }
  func.func @transform_4(%arg0: i32) -> (i32, i32) {
    %c0_i32 = arith.constant 0 : i32
    %c0_i32_0 = arith.constant 0 : i32
    return %arg0, %c0_i32 : i32, i32
  }
  func.func @transform_5(%arg0: i32) -> (i32, i32) {
    %c0_i32 = arith.constant 0 : i32
    %c0_i32_0 = arith.constant 0 : i32
    return %arg0, %c0_i32 : i32, i32
  }
  func.func @transform_6(%arg0: i32) -> (i32, i32) {
    %c0_i32 = arith.constant 0 : i32
    %c0_i32_0 = arith.constant 0 : i32
    return %c0_i32, %arg0 : i32, i32
  }
}

module attributes {stable_mosaic.version = 14 : i64} {
  func.func @body(%arg0: i32, %arg1: memref<2x2x256x64xbf16, #tpu.memory_space<vmem>>, %arg2: memref<32x256xf32, #tpu.memory_space<vmem>>, %arg3: memref<32x256xf32, #tpu.memory_space<vmem>>, %arg4: memref<32x256xf32, #tpu.memory_space<vmem>>, %arg5: memref<1x128xf32, #tpu.memory_space<vmem>>, %arg6: memref<128x2xf32, #tpu.memory_space<vmem>>, %arg7: memref<1x2xf32, #tpu.memory_space<vmem>>, %arg8: memref<1x2xf32, #tpu.memory_space<vmem>>, %arg9: memref<1x128xf32, #tpu.memory_space<vmem>>) attributes {dimension_semantics = [#tpu.dimension_semantics<arbitrary>], iteration_bounds = array<i64: 40>, scalar_prefetch = 0 : i64, scratch_operands = 1 : i64, tpu.core_type = #tpu.core_type<tc>, window_params = [{transform_indices = @transform_0, window_bounds = array<i64: 2, 2, 256, 64>}, {transform_indices = @transform_1, window_bounds = array<i64: 32, 256>}, {transform_indices = @transform_2, window_bounds = array<i64: 32, 256>}, {transform_indices = @transform_3, window_bounds = array<i64: 32, 256>}, {pipeline_mode = #tpu.pipeline_mode<synchronous>, transform_indices = @transform_4, window_bounds = array<i64: 1, 128>}, {pipeline_mode = #tpu.pipeline_mode<synchronous>, transform_indices = @transform_5, window_bounds = array<i64: 128, 2>}, {pipeline_mode = #tpu.pipeline_mode<synchronous>, transform_indices = @transform_6, window_bounds = array<i64: 1, 2>}, {pipeline_mode = #tpu.pipeline_mode<synchronous>, transform_indices = @transform_7, window_bounds = array<i64: 1, 2>}]} {
    %eq3A = arith.constant 0 : i32
    %eq3A_0 = arith.cmpi eq, %arg0, %eq3A : i32
    %convert_element_type3A = arith.extui %eq3A_0 : i1 to i32
    %cond3A = arith.constant 0 : i32
    %cond3A_1 = arith.cmpi ne, %convert_element_type3A, %cond3A : i32
    scf.if %cond3A_1 {
      %broadcast_in_dim3A_86 = arith.constant 0.000000e+00 : f32
      %broadcast_in_dim3A_87 = vector.broadcast %broadcast_in_dim3A_86 : f32 to vector<1x128xf32>
      %swap3A_88 = arith.constant 0 : index
      %swap3A_89 = arith.constant 0 : index
      %swap3A_90 = vector.load %arg9[%swap3A_88, %swap3A_89] : memref<1x128xf32, #tpu.memory_space<vmem>>, vector<1x128xf32>
      tpu.vector_store %arg9[%swap3A_88, %swap3A_89], %broadcast_in_dim3A_87 {strides = array<i32>} : memref<1x128xf32, #tpu.memory_space<vmem>>, vector<1x128xf32>,
    } else {
    }
    %get3A = arith.constant 0 : index
    %get3A_2 = arith.constant 0 : index
    %get3A_3 = vector.load %arg3[%get3A, %get3A_2] : memref<32x256xf32, #tpu.memory_space<vmem>>, vector<32x256xf32>
    %broadcast_in_dim3A = arith.constant 1.000000e+00 : f32
    %broadcast_in_dim3A_4 = vector.broadcast %broadcast_in_dim3A : f32 to vector<32x1xf32>
    %dot_general3A = arith.constant dense<0.000000e+00> : vector<256x1xf32>
    %dot_general3A_5 = tpu.matmul %get3A_3, %broadcast_in_dim3A_4, %dot_general3A {dimension_numbers = #tpu.dot_dimension_numbers<[0], [0], [1], [1], [0, 1, 1, 1], [], []>, transpose_lhs_hint = false} : vector<32x256xf32>, vector<32x1xf32>, vector<256x1xf32> -> vector<256x1xf32>
    %add3A = arith.constant 1.000000e+00 : f32
    %add3A_6 = vector.broadcast %add3A : f32 to vector<256x1xf32>
    %add3A_7 = arith.addf %dot_general3A_5, %add3A_6 : vector<256x1xf32>
    %rsqrt3A = math.rsqrt %add3A_7 : vector<256x1xf32>
    %get3A_8 = arith.constant 0 : index
    %get3A_9 = arith.constant 0 : index
    %get3A_10 = vector.load %arg2[%get3A_8, %get3A_9] : memref<32x256xf32, #tpu.memory_space<vmem>>, vector<32x256xf32>
    %reduce_sum3A = arith.constant dense<0.000000e+00> : vector<256xf32>
    %reduce_sum3A_11 = vector.multi_reduction <add>, %get3A_10, %reduce_sum3A [0] : vector<32x256xf32> to vector<256xf32>
    %broadcast_in_dim3A_12 = vector.shape_cast %reduce_sum3A_11 : vector<256xf32> to vector<1x256xf32>
    %add3A_13 = arith.constant 1.000000e+00 : f32
    %add3A_14 = vector.broadcast %add3A_13 : f32 to vector<1x256xf32>
    %add3A_15 = arith.addf %broadcast_in_dim3A_12, %add3A_14 : vector<1x256xf32>
    %rsqrt3A_16 = math.rsqrt %add3A_15 : vector<1x256xf32>
    %get3A_17 = arith.constant 0 : index
    %get3A_18 = arith.constant 0 : index
    %get3A_19 = vector.load %arg3[%get3A_17, %get3A_18] : memref<32x256xf32, #tpu.memory_space<vmem>>, vector<32x256xf32>
    %reduce_sum3A_20 = arith.constant dense<0.000000e+00> : vector<256xf32>
    %reduce_sum3A_21 = vector.multi_reduction <add>, %get3A_19, %reduce_sum3A_20 [0] : vector<32x256xf32> to vector<256xf32>
    %broadcast_in_dim3A_22 = vector.shape_cast %reduce_sum3A_21 : vector<256xf32> to vector<1x256xf32>
    %add3A_23 = arith.constant 1.000000e+00 : f32
    %add3A_24 = vector.broadcast %add3A_23 : f32 to vector<1x256xf32>
    %add3A_25 = arith.addf %broadcast_in_dim3A_22, %add3A_24 : vector<1x256xf32>
    %rsqrt3A_26 = math.rsqrt %add3A_25 : vector<1x256xf32>
    %get3A_27 = arith.constant 0 : index
    %get3A_28 = arith.constant 0 : index
    %get3A_29 = arith.constant 0 : index
    %get3A_30 = arith.constant 0 : index
    %get3A_31 = vector.load %arg1[%get3A_27, %get3A_28, %get3A_29, %get3A_30] : memref<2x2x256x64xbf16, #tpu.memory_space<vmem>>, vector<1x1x256x64xbf16>
    %get3A_32 = vector.shape_cast %get3A_31 : vector<1x1x256x64xbf16> to vector<256x64xbf16>
    %convert_element_type3A_33 = arith.extf %get3A_32 : vector<256x64xbf16> to vector<256x64xf32>
    %get3A_34 = arith.constant 0 : index
    %get3A_35 = arith.constant 1 : index
    %get3A_36 = arith.constant 0 : index
    %get3A_37 = arith.constant 0 : index
    %get3A_38 = vector.load %arg1[%get3A_34, %get3A_35, %get3A_36, %get3A_37] : memref<2x2x256x64xbf16, #tpu.memory_space<vmem>>, vector<1x1x256x64xbf16>
    %get3A_39 = vector.shape_cast %get3A_38 : vector<1x1x256x64xbf16> to vector<256x64xbf16>
    %convert_element_type3A_40 = arith.extf %get3A_39 : vector<256x64xbf16> to vector<256x64xf32>
    %add3A_41 = arith.addf %convert_element_type3A_33, %convert_element_type3A_40 : vector<256x64xf32>
    %get3A_42 = arith.constant 1 : index
    %get3A_43 = arith.constant 0 : index
    %get3A_44 = arith.constant 0 : index
    %get3A_45 = arith.constant 0 : index
    %get3A_46 = vector.load %arg1[%get3A_42, %get3A_43, %get3A_44, %get3A_45] : memref<2x2x256x64xbf16, #tpu.memory_space<vmem>>, vector<1x1x256x64xbf16>
    %get3A_47 = vector.shape_cast %get3A_46 : vector<1x1x256x64xbf16> to vector<256x64xbf16>
    %convert_element_type3A_48 = arith.extf %get3A_47 : vector<256x64xbf16> to vector<256x64xf32>
    %get3A_49 = arith.constant 1 : index
    %get3A_50 = arith.constant 1 : index
    %get3A_51 = arith.constant 0 : index
    %get3A_52 = arith.constant 0 : index
    %get3A_53 = vector.load %arg1[%get3A_49, %get3A_50, %get3A_51, %get3A_52] : memref<2x2x256x64xbf16, #tpu.memory_space<vmem>>, vector<1x1x256x64xbf16>
    %get3A_54 = vector.shape_cast %get3A_53 : vector<1x1x256x64xbf16> to vector<256x64xbf16>
    %convert_element_type3A_55 = arith.extf %get3A_54 : vector<256x64xbf16> to vector<256x64xf32>
    %add3A_56 = arith.addf %convert_element_type3A_48, %convert_element_type3A_55 : vector<256x64xf32>
    %concatenate3A = tpu.concatenate %add3A_41, %add3A_56 in 1 : vector<256x64xf32>, vector<256x64xf32> -> vector<256x128xf32>
    %mul3A = vector.broadcast %rsqrt3A : vector<256x1xf32> to vector<256x128xf32>
    %mul3A_57 = arith.mulf %concatenate3A, %mul3A : vector<256x128xf32>
    %get3A_58 = arith.constant 0 : index
    %get3A_59 = arith.constant 0 : index
    %get3A_60 = vector.load %arg5[%get3A_58, %get3A_59] : memref<1x128xf32, #tpu.memory_space<vmem>>, vector<1x128xf32>
    %add3A_61 = vector.broadcast %get3A_60 : vector<1x128xf32> to vector<256x128xf32>
    %add3A_62 = arith.addf %mul3A_57, %add3A_61 : vector<256x128xf32>
    %max3A = arith.constant 0.000000e+00 : f32
    %max3A_63 = vector.broadcast %max3A : f32 to vector<256x128xf32>
    %max3A_64 = arith.maximumf %add3A_62, %max3A_63 : vector<256x128xf32>
    %get3A_65 = arith.constant 0 : index
    %get3A_66 = arith.constant 0 : index
    %get3A_67 = vector.load %arg4[%get3A_65, %get3A_66] : memref<32x256xf32, #tpu.memory_space<vmem>>, vector<32x256xf32>
    %reduce_sum3A_68 = arith.constant dense<0.000000e+00> : vector<256xf32>
    %reduce_sum3A_69 = vector.multi_reduction <add>, %get3A_67, %reduce_sum3A_68 [0] : vector<32x256xf32> to vector<256xf32>
    %broadcast_in_dim3A_70 = vector.shape_cast %reduce_sum3A_69 : vector<256xf32> to vector<1x256xf32>
    %add3A_71 = arith.addf %broadcast_in_dim3A_70, %rsqrt3A_26 : vector<1x256xf32>
    %mul3A_72 = arith.mulf %rsqrt3A_16, %add3A_71 : vector<1x256xf32>
    %get3A_73 = arith.constant 0 : index
    %get3A_74 = arith.constant 0 : index
    %get3A_75 = vector.load %arg9[%get3A_73, %get3A_74] : memref<1x128xf32, #tpu.memory_space<vmem>>, vector<1x128xf32>
    %dot_general3A_76 = arith.constant dense<0.000000e+00> : vector<1x128xf32>
    %dot_general3A_77 = tpu.matmul %mul3A_72, %max3A_64, %dot_general3A_76 {dimension_numbers = #tpu.dot_dimension_numbers<[1], [0], [0], [1], [0, 0, 1, 1], [], []>, transpose_lhs_hint = false} : vector<1x256xf32>, vector<256x128xf32>, vector<1x128xf32> -> vector<1x128xf32>
    %add3A_78 = arith.addf %get3A_75, %dot_general3A_77 : vector<1x128xf32>
    %swap3A = arith.constant 0 : index
    %swap3A_79 = arith.constant 0 : index
    %swap3A_80 = vector.load %arg9[%swap3A, %swap3A_79] : memref<1x128xf32, #tpu.memory_space<vmem>>, vector<1x128xf32>
    tpu.vector_store %arg9[%swap3A, %swap3A_79], %add3A_78 {strides = array<i32>} : memref<1x128xf32, #tpu.memory_space<vmem>>, vector<1x128xf32>,
    %eq3A_81 = arith.constant 39 : i32
    %eq3A_82 = arith.cmpi eq, %arg0, %eq3A_81 : i32
    %convert_element_type3A_83 = arith.extui %eq3A_82 : i1 to i32
    %cond3A_84 = arith.constant 0 : i32
    %cond3A_85 = arith.cmpi ne, %convert_element_type3A_83, %cond3A_84 : i32
    scf.if %cond3A_85 {
      %get3A_86 = arith.constant 0 : index
      %get3A_87 = arith.constant 0 : index
      %get3A_88 = vector.load %arg9[%get3A_86, %get3A_87] : memref<1x128xf32, #tpu.memory_space<vmem>>, vector<1x128xf32>
      %mul3A_89 = arith.constant 9.99999974E-5 : f32
      %mul3A_90 = vector.broadcast %mul3A_89 : f32 to vector<1x128xf32>
      %mul3A_91 = arith.mulf %get3A_88, %mul3A_90 : vector<1x128xf32>
      %get3A_92 = arith.constant 0 : index
      %get3A_93 = arith.constant 0 : index
      %get3A_94 = vector.load %arg6[%get3A_92, %get3A_93] : memref<128x2xf32, #tpu.memory_space<vmem>>, vector<128x2xf32>
      %dot_general3A_95 = arith.constant dense<0.000000e+00> : vector<1x2xf32>
      %dot_general3A_96 = tpu.matmul %mul3A_91, %get3A_94, %dot_general3A_95 {dimension_numbers = #tpu.dot_dimension_numbers<[1], [0], [0], [1], [0, 0, 1, 1], [], []>, transpose_lhs_hint = false} : vector<1x128xf32>, vector<128x2xf32>, vector<1x2xf32> -> vector<1x2xf32>
      %get3A_97 = arith.constant 0 : index
      %get3A_98 = arith.constant 0 : index
      %get3A_99 = vector.load %arg7[%get3A_97, %get3A_98] : memref<1x2xf32, #tpu.memory_space<vmem>>, vector<1x2xf32>
      %add3A_100 = arith.addf %dot_general3A_96, %get3A_99 : vector<1x2xf32>
      %swap3A_101 = arith.constant 0 : index
      %swap3A_102 = arith.constant 0 : index
      %swap3A_103 = vector.load %arg8[%swap3A_101, %swap3A_102] : memref<1x2xf32, #tpu.memory_space<vmem>>, vector<1x2xf32>
      tpu.vector_store %arg8[%swap3A_101, %swap3A_102], %add3A_100 {strides = array<i32>} : memref<1x2xf32, #tpu.memory_space<vmem>>, vector<1x2xf32>,
    } else {
    }
    return
  }
  func.func @transform_0(%arg0: i32) -> (i32, i32, i32, i32) {
    %c0_i32 = arith.constant 0 : i32
    %c0_i32_0 = arith.constant 0 : i32
    %c0_i32_1 = arith.constant 0 : i32
    %c0_i32_2 = arith.constant 0 : i32
    return %c0_i32, %c0_i32_0, %arg0, %c0_i32_1 : i32, i32, i32, i32
  }
  func.func @transform_1(%arg0: i32) -> (i32, i32) {
    %c0_i32 = arith.constant 0 : i32
    %c0_i32_0 = arith.constant 0 : i32
    return %c0_i32, %arg0 : i32, i32
  }
  func.func @transform_2(%arg0: i32) -> (i32, i32) {
    %c0_i32 = arith.constant 0 : i32
    %c0_i32_0 = arith.constant 0 : i32
    return %c0_i32, %arg0 : i32, i32
  }
  func.func @transform_3(%arg0: i32) -> (i32, i32) {
    %c0_i32 = arith.constant 0 : i32
    %c0_i32_0 = arith.constant 0 : i32
    return %c0_i32, %arg0 : i32, i32
  }
  func.func @transform_4(%arg0: i32) -> (i32, i32) {
    %c0_i32 = arith.constant 0 : i32
    %c0_i32_0 = arith.constant 0 : i32
    %c0_i32_1 = arith.constant 0 : i32
    return %c0_i32, %c0_i32_0 : i32, i32
  }
  func.func @transform_5(%arg0: i32) -> (i32, i32) {
    %c0_i32 = arith.constant 0 : i32
    %c0_i32_0 = arith.constant 0 : i32
    %c0_i32_1 = arith.constant 0 : i32
    return %c0_i32, %c0_i32_0 : i32, i32
  }
  func.func @transform_6(%arg0: i32) -> (i32, i32) {
    %c0_i32 = arith.constant 0 : i32
    %c0_i32_0 = arith.constant 0 : i32
    %c0_i32_1 = arith.constant 0 : i32
    return %c0_i32, %c0_i32_0 : i32, i32
  }
  func.func @transform_7(%arg0: i32) -> (i32, i32) {
    %c0_i32 = arith.constant 0 : i32
    %c0_i32_0 = arith.constant 0 : i32
    %c0_i32_1 = arith.constant 0 : i32
    return %c0_i32, %c0_i32_0 : i32, i32
  }
}

</mosaic_0001>

<sc_bundles>
// kernel: kernel.10.cloned.1.call-start
scs
__scs_entry_jumppad:
0x0: {  	(pc) =	sbr.rel $0x88, $3  }
0x1: {  	(tag) =	ssettag $0x0;
	lr =	simm.s32 $0x1  }
0x2: {  	[smem:$0x3F9B] =	sst lr;
	_ =	strace $0xD0000000  }
0x3: {  	_ = 	snop  }
0x4: {  	_ = 	snop  }
0x5: {  	_ = 	snop  }
0x6: {  	_ = 	snop  }
0x7: {  	_ = 	snop  }
__scs_overlays_trampoline_lowered:
0x8: {  	[smem:$0x3FAA] =	sst s0  }
0x9: {  	[smem:$0x3FAB] =	sst s1  }
0xa: {  	[smem:$0x3FAC] =	sst s2  }
0xb: {  	[smem:$0x3FAD] =	sst s3  }
0xc: {  	[smem:$0x3FAE] =	sst s4  }
0xd: {  	[smem:$0x3FAF] =	sst s5  }
0xe: {  	[smem:$0x3FB0] =	sst s6  }
0xf: {  	[smem:$0x3FB1] =	sst s7  }
0x10: {  	[smem:$0x3FB2] =	sst s8  }
0x11: {  	[smem:$0x3FB3] =	sst s9;
	s0 =	simm.s32 @!p0 $0x0  }
0x12: {  	s1 =	sld [smem:$0x3F99];
	s0 =	simm.s32 @p0 $0x1  }
0x13: {  	[smem:$0x3FB4] =	sst s0;
	s0 =	simm.s32 @!p1 $0x0  }
0x14: {  	s2 =	sld [smem:$0x3F98];
	s0 =	simm.s32 @p1 $0x1  }
0x15: {  	[smem:$0x3FB5] =	sst s0;
	s0 =	simm.s32 @!p2 $0x0  }
0x16: {  	s3 =	sld [smem:$0x3FDB];
	s0 =	simm.s32 @p2 $0x1  }
0x17: {  	s4 =	simm.s32 $0x1BF5;
	[smem:$0x3FB7] =	sst s0  }
0x18: {  	s0 =	sld [smem:$0x3F9A];
	_ =	swait.ge [sflag:s4], $0x0  }
0x19: {  	s7 =	sld [smem:$0x3F9B]  }
0x1a: {  	s8 =	sadd.s32 $0xFFFFE003, lr  }
0x1b: {  	s9 =	sadd.s32 $0xFFFFFEF7, lr;
	s5 =	simm.s32 $0xFFFFFFFF;
	p2 =	slt.u32 s8, $0xFFFFF086  }
0x1c: {  	p1 =	slt.u32 s9, $0xF7A;
	s5 =	simm.s32 @!p2 $0x0  }
0x1d: {  	s5 =	simm.s32 @p1 $0x1;
	p0 =	seq.s32 s7, s2  }
0x1e: {  	s7 =	smul.u32 @!p0 $0xF7A, s2;
	p2 =	seq.s32 @!p0 s5, $0x0  }
0x1f: {  	s9 =	smul.u32 $0xF7A, s1;
	s8 =	simm.s32 @!p0 $0x1BF5;
	p2 =	por !p2, p0  }
0x20: {  	[sflag:s8] =	ssyncset.s32 @!p0 $0xFFFFF086;
	s6 =	sadd.s32 @!p0 s3, s7;
	s7 =	simm.s32 @!p0 $0x108  }
0x21: {  	s3 =	sadd.s32 s3, s9;
	s6 =	sadd.s32 @!p0 $0x88, s6;
	s7 =	simm.s32 @p2 $0x1082  }
0x22: {  	[simem:s7], [sflag:s8] =	dma.local @!p0 [hbm:s6], $0xF7A  }
0x23: {  	s9 =	sor.u32 $0xD0000000, s2;
	s6 =	simm.s32 $0x108;
	_ =	swait.ge @!p0 [sflag:s8], $0x0  }
0x24: {  	s3 =	sadd.s32 $0x88, s3;
	s6 =	simm.s32 @!p1 $0x1082;
	[sflag:s4] =	ssyncset.s32 $0xFFFFF086  }
0x25: {  	[simem:s6], [sflag:s4] =	dma.local [hbm:s3], $0xF7A  }
0x26: {  	[smem:$0x3F9B] =	sst s1;
	(tag) =	ssettag s2;
	_ =	strace s9  }
0x27: {  	s1 =	sld [smem:$0x3FAB]  }
0x28: {  	s2 =	sld [smem:$0x3FAC]  }
0x29: {  	s4 =	sld [smem:$0x3FAE]  }
0x2a: {  	p0 =	seq.s32 s5, $0x0;
	s5 =	sld [smem:$0x3FAF]  }
0x2b: {  	s6 =	sld [smem:$0x3FB0]  }
0x2c: {  	s7 =	sld [smem:$0x3FB1]  }
0x2d: {  	s3 =	simm.s32 $0x108;
	s8 =	sld [smem:$0x3FB2]  }
0x2e: {  	s3 =	simm.s32 @!p0 $0x1082;
	s9 =	sld [smem:$0x3FB3]  }
0x2f: {  	lr =	sadd.s32 s0, s3;
	s0 =	sld [smem:$0x3FAA]  }
0x30: {  	s3 =	sld [smem:$0x3FAD]  }
0x31: {  	[smem:$0x3FB6] =	sst s10  }
0x32: {  	s10 =	sld [smem:$0x3FB4];
	_ =	sdelay $0x3  }
0x33: {  	p0 =	seq.s32 s10, $0x1;
	s10 =	sld [smem:$0x3FB6];
	_ =	sdelay $0x3  }
0x34: {  	[smem:$0x3FB6] =	sst s10  }
0x35: {  	s10 =	sld [smem:$0x3FB5];
	_ =	sdelay $0x3  }
0x36: {  	p1 =	seq.s32 s10, $0x1;
	s10 =	sld [smem:$0x3FB6];
	_ =	sdelay $0x3  }
0x37: {  	[smem:$0x3FB6] =	sst s10  }
0x38: {  	s10 =	sld [smem:$0x3FB7]  }
0x39: {  	_ = 	snop;
	(pc) =	sbr.ind lr, $3  }
0x3a: {  	_ = 	snop  }
0x3b: {  	_ = 	snop  }
0x3c: {  	p2 =	seq.s32 s10, $0x1;
	s10 =	sld [smem:$0x3FB6]  }
0x3d: {  	_ =	shalt  }
0x3e: {  	_ =	shalt  }
0x3f: {  	_ =	shalt  }
0x40: {  	_ =	shalt  }
0x41: {  	_ =	shalt  }
0x42: {  	_ =	shalt  }
0x43: {  	_ =	shalt  }
0x44: {  	_ =	shalt  }
0x45: {  	_ =	shalt  }
0x46: {  	_ =	shalt  }
0x47: {  	_ =	shalt  }
0x48: {  	_ =	shalt  }
0x49: {  	_ =	shalt  }
0x4a: {  	_ =	shalt  }
0x4b: {  	_ =	shalt  }
0x4c: {  	_ =	shalt  }
0x4d: {  	_ =	shalt  }
0x4e: {  	_ =	shalt  }
0x4f: {  	_ =	shalt  }
0x50: {  	_ =	shalt  }
0x51: {  	_ =	shalt  }
0x52: {  	_ =	shalt  }
0x53: {  	_ =	shalt  }
0x54: {  	_ =	shalt  }
0x55: {  	_ =	shalt  }
0x56: {  	_ =	shalt  }
0x57: {  	_ =	shalt  }
0x58: {  	_ =	shalt  }
0x59: {  	_ =	shalt  }
0x5a: {  	_ =	shalt  }
0x5b: {  	_ =	shalt  }
0x5c: {  	_ =	shalt  }
0x5d: {  	_ =	shalt  }
0x5e: {  	_ =	shalt  }
0x5f: {  	_ =	shalt  }
0x60: {  	_ =	shalt  }
0x61: {  	_ =	shalt  }
0x62: {  	_ =	shalt  }
0x63: {  	_ =	shalt  }
0x64: {  	_ =	shalt  }
0x65: {  	_ =	shalt  }
0x66: {  	_ =	shalt  }
0x67: {  	_ =	shalt  }
0x68: {  	_ =	shalt  }
0x69: {  	_ =	shalt  }
0x6a: {  	_ =	shalt  }
0x6b: {  	_ =	shalt  }
0x6c: {  	_ =	shalt  }
0x6d: {  	_ =	shalt  }
0x6e: {  	_ =	shalt  }
0x6f: {  	_ =	shalt  }
0x70: {  	_ =	shalt  }
0x71: {  	_ =	shalt  }
0x72: {  	_ =	shalt  }
0x73: {  	_ =	shalt  }
0x74: {  	_ =	shalt  }
0x75: {  	_ =	shalt  }
0x76: {  	_ =	shalt  }
0x77: {  	_ =	shalt  }
0x78: {  	_ =	shalt  }
0x79: {  	_ =	shalt  }
0x7a: {  	_ =	shalt  }
0x7b: {  	_ =	shalt  }
0x7c: {  	_ =	shalt  }
0x7d: {  	_ =	shalt  }
0x7e: {  	_ =	shalt  }
0x7f: {  	_ =	shalt  }
0x80: {  	_ =	shalt  }
0x81: {  	_ =	shalt  }
0x82: {  	_ =	shalt  }
0x83: {  	_ =	shalt  }
0x84: {  	_ =	shalt  }
0x85: {  	_ =	shalt  }
0x86: {  	_ =	shalt  }
0x87: {  	_ =	shalt  }
.Lfunc_end0:
.L_simem_size_0:
called_computation.1_lowered:
.L_overlay_start_0:
0x88: {  	s2 =	sld [smem:$0x3FD9]  }
0x89: {  	s3 =	sld [smem:$0x3FFE];
	_ =	sdelay $0x1  }
0x8a: {  	s1 =	srdreg.scid  }
0x8b: {  	s0 =	sand.u32 $0x1, s1  }
0x8c: {  	s16 =	sshll.u32 s0, $0xA;
	s2 =	sadd.s32 s3, s2  }
0x8d: {  	s2 =	sadd.s32 s2, s16  }
0x8e: {  	[smem:$0x3FC2] =	sst s2  }
0x8f: {  	_ = 	snop  }
0x90: {  	(tm) =	ssettm $0x1  }
0x91: {  	s17 =	sld [smem:$0x3FFB];
	_ =	sdelay $0x3  }
0x92: {  	_ =	strace s17  }
0x93: {  	s2 =	sld [smem:$0x3FFC];
	_ =	sdelay $0x3  }
0x94: {  	_ =	strace s2  }
0x95: {  	s2 =	sld [smem:$0x3FFD];
	_ =	sdelay $0x3  }
0x96: {  	_ =	strace s2  }
0x97: {  	_ =	strace $0x8FFFFFFF  }
0x98: {  	s18 =	sld [smem:$0x3FDB];
	_ =	sdelay $0x1  }
0x99: {  	s19 =	simm.s32 $_scs_section_size  }
0x9a: {  	s4 =	simm.s32 $_size__tile_overlayer_lowered;
	s5 =	simm.s32 $_tile_overlayer_lowered  }
0x9b: {  	s22 =	simm.s32 $0x1BFF;
	s21 =	sshll.u32 s5, $0x1;
	s2 =	sadd.s32 s19, s18  }
0x9c: {  	s6 =	simm.s32 $0x0;
	s20 =	sshll.u32 s4, $0x1;
	s4 =	sadd.s32 s21, s2  }
0x9d: {  	[timem:s6], [sflag:s22] =	dma.local [hbm:s4], s20  }
0x9e: {  	_ =	swait.ge [sflag:s22], s20  }
0x9f: {  	s3 =	ssub.s32 $0x0, s20;
	[sflag:s22] =	ssyncset.done $0x0  }
0xa0: {  	[sflag:s22] =	ssyncadd.s32 s3;
	_ =	sdelay $0x1  }
0xa1: {  	s23 =	simm.s32 $0x1B8B  }
0xa2: {  	_ =	swait.ge [sflag:s23], $0x1  }
0xa3: {  	[sflag:s23] =	ssyncset.done $0x0  }
0xa4: {  	s25 =	simm.s32 $0x1B8E;
	s24 =	sld [smem:$0x3FFE];
	[sflag:s23] =	ssyncadd.s32 $0xFFFFFFFF  }
0xa5: {  	s26 =	simm.s32 $execute0_lowered;
	[smem:$0x3FD2] =	sst s25  }
0xa6: {  	s4 =	sshll.u32 s26, $0x1;
	_ =	strace $0x80000049;
	[dreg:$0x1] =	wrdreg $0xFFFFFFFF  }
0xa7: {  	s28 =	simm.s32 $_size_execute0_lowered;
	s2 =	sadd.s32 s2, s4;
	[dreg:$0x0] =	wrdreg $0x0  }
0xa8: {  	s4 =	sshll.u32 s28, $0x1;
	[dreg:$0x2] =	wrdreg s2  }
0xa9: {  	[dreg:$0x3] =	wrdreg s4  }
0xaa: {  	[dreg:$0x4] =	wrdreg $0xC0  }
0xab: {  	_ =	task [dreg:s6], $0x5FFFF  }
0xac: {  	[dreg:$0x1] =	wrdreg $0xFFFFFFFF  }
0xad: {  	[dreg:$0x0] =	wrdreg $0x60  }
0xae: {  	[dreg:$0x2] =	wrdreg s24  }
0xaf: {  	[dreg:$0x3] =	wrdreg $0x9  }
0xb0: {  	_ =	task.clear_ibuf [dreg:s6], $0x4FFFF;
	_ =	strace $0x90000049  }
0xb1: {  	s29 =	simm.s32 $0x9;
	_ =	strace $0x8000004B  }
0xb2: {  	_ =	swait.ge [sflag:s29], $0x1  }
0xb3: {  	[sflag:s29] =	ssyncadd.s32 $0xFFFFFFFF  }
0xb4: {  	_ =	strace $0x9000004B  }
0xb5: {  	_ =	sfence  }
0xb6: {  	s30 =	sld [smem:$0x0];
	_ =	sdelay $0x2  }
0xb7: {  	s31 =	sshll.u32 s1, $0xD;
	s1 =	sshrl.u32 s1, $0x2  }
0xb8: {  	s3 =	sand.u32 $0x4000, s31;
	s1 =	sadd.s32 s1, s30  }
0xb9: {  	s0 =	sor.u32 s3, s0;
	s1 =	sshll.u32 s1, $0x11  }
0xba: {  	s0 =	sor.u32 s1, s0  }
0xbb: {  	s0 =	sadd.s32 $0x8F2B, s0  }
0xbc: {  	[sflag:s0] =	ssyncadd.remote.s32 $0x1  }
0xbd: {  	_ =	sfence.sel $0xFFFF  }
0xbe: {  	[dreg:$0x0] =	wrdreg $0xFFFFFFFF;
	(pc) =	sbr.abs _section_cstart, $3  }
0xbf: {  	[dreg:$0x1] =	wrdreg $0xFFFFFFFF  }
0xc0: {  	_ =	task.clear_ibuf [dreg:s6], $0x2FFFF;
	_ =	strace $0x9FFFFFFF  }
0xc1: {  	(tm) =	ssettm $0x7FFFFFFF  }
tec
execute0_lowered:
.L_overlay_start_1:
0x0: {  	(tag) =	ssettag $0x1  }
0x1: {  	s1 =	srdreg.scid  }
0x2: {  	s0 =	stileid.u32;
	s4 =	rddreg [dreg:$0x0];
	s2 =	simm.s32 $0x0  }
0x3: {  	s9 =	simm.s32 $0x2800;
	s3 =	sand.u32 $0x1, s1;
	s5 =	sshll.u32 s0, $0x1  }
0x4: {  	s10 =	simm.s32 $0x5000;
	s11 =	simm.s32 $0x7800;
	s5 =	sor.u32 s3, s5  }
0x5: {  	s1 =	rddreg [dreg:$0x1];
	s6 =	ssub.s32 $0x2, s3;
	s5 =	smul.u32 $0x500, s5  }
0x6: {  	s12 =	simm.s32 $0x0;
	[smem:$0x7FF] =	sst s2;
	s7 =	sshrl.u32 s6, $0x1  }
0x7: {  	_ =	strace $0x8000004A;
	s7 =	ssub.s32 s6, s7;
	s8 =	sadd.s32 s5, s4  }
0x8: {  	s3 =	sadd.s32 $0x15E00, s4;
	s7 =	smax.u32 s7, $0x1;
	s4 =	sadd.s32 $0xBE00, s8  }
0x9: {  	v0 =	vimm.f32 $0.0e+00;
	s5 =	sadd.s32 $0x1E00, s8;
	s6 =	sadd.s32 $0x16400, s8;
	s8 =	simm.s32 $0x1  }
.LBB2_1:
0xa: {  	[tilespmem:s2], [sflag:$0x1] =	stream.linear.gather [hbm4b:s4+s2], $0x2800, $0x38;
	[tilespmem:$0xA000] =	vst v63  }
0xb: {  	_ =	swait.ge [sflag:s8], $0x2800  }
0xc: {  	[sflag:s8] =	ssyncset.done $0x0  }
0xd: {  	[sflag:s8] =	ssyncadd.s32 $0xFFFFD800  }
0xe: {  	[tilespmem:s9], [sflag:$0x1] =	stream.linear.gather [hbm4b:s5+s2], $0x2800, $0x38;
	[tilespmem:$0xA000] =	vst v63  }
0xf: {  	_ =	swait.ge [sflag:s8], $0x2800  }
0x10: {  	[sflag:s8] =	ssyncset.done $0x0  }
0x11: {  	[sflag:s8] =	ssyncadd.s32 $0xFFFFD800  }
0x12: {  	[tilespmem:s10], [sflag:$0x1] =	stream.linear.gather [hbm4b:s3+s2], $0x2800, $0x38;
	[tilespmem:$0xA000] =	vst v63  }
0x13: {  	_ =	swait.ge [sflag:s8], $0x2800  }
0x14: {  	[sflag:s8] =	ssyncset.done $0x0  }
0x15: {  	s13 =	simm.s32 $0x0;
	[sflag:s8] =	ssyncadd.s32 $0xFFFFD800  }
.LBB2_2:
0x16: {  	p0 =	sne.s32 s13, $0x9FC0  }
.Ltmp0:
0x17: {  	_ = 	snop;
	(pc) =	sbr.rel @p0 .LBB2_2-.Ltmp0, $3  }
0x18: {  	_ =	sdelay $0x1  }
0x19: {  	s14 =	sshra.s32 s13, $0x2  }
0x1a: {  	s13 =	sadd.s32 $0x40, s13;
	[tilespmem:s14+$0x7800] =	vst v0  }
0x1b: {  	s13 =	simm.s32 $0x0  }
.LBB2_4:
0x1c: {  	s14 =	sshra.s32 s13, $0x2  }
0x1d: {  	v1 =	vld [tilespmem:s14+$0x2800];
	_ =	sdelay $0x4  }
0x1e: {  	v2 =	vld [tilespmem:s14+$0x0];
	_ =	sdelay $0x2  }
0x1f: {  	v1 =	vld.idx.msk [tilespmem:v1+s10+$0x0], $0xffff;
	_ =	sdelay $0x4  }
0x20: {  	[tilespmem:v2+s11+$0x0] =	vst.idx.add.f32.msk $0xffff, v1  }
0x21: {  	v1 =	vld [tilespmem:s14+$0x2810];
	_ =	sdelay $0x4  }
0x22: {  	v2 =	vld [tilespmem:s14+$0x10];
	_ =	sdelay $0x2  }
0x23: {  	v1 =	vld.idx.msk [tilespmem:v1+s10+$0x0], $0xffff;
	_ =	sdelay $0x4  }
0x24: {  	[tilespmem:v2+s11+$0x0] =	vst.idx.add.f32.msk $0xffff, v1  }
0x25: {  	v1 =	vld [tilespmem:s14+$0x2820];
	_ =	sdelay $0x4  }
0x26: {  	v2 =	vld [tilespmem:s14+$0x20];
	_ =	sdelay $0x2  }
0x27: {  	v1 =	vld.idx.msk [tilespmem:v1+s10+$0x0], $0xffff;
	_ =	sdelay $0x4  }
0x28: {  	[tilespmem:v2+s11+$0x0] =	vst.idx.add.f32.msk $0xffff, v1  }
0x29: {  	v1 =	vld [tilespmem:s14+$0x2830];
	_ =	sdelay $0x4  }
0x2a: {  	v2 =	vld [tilespmem:s14+$0x30];
	_ =	sdelay $0x2  }
0x2b: {  	v1 =	vld.idx.msk [tilespmem:v1+s10+$0x0], $0xffff;
	_ =	sdelay $0x4  }
0x2c: {  	[tilespmem:v2+s11+$0x0] =	vst.idx.add.f32.msk $0xffff, v1  }
0x2d: {  	v1 =	vld [tilespmem:s14+$0x2840];
	_ =	sdelay $0x4  }
0x2e: {  	v2 =	vld [tilespmem:s14+$0x40];
	_ =	sdelay $0x2  }
0x2f: {  	v1 =	vld.idx.msk [tilespmem:v1+s10+$0x0], $0xffff;
	_ =	sdelay $0x4  }
0x30: {  	[tilespmem:v2+s11+$0x0] =	vst.idx.add.f32.msk $0xffff, v1  }
0x31: {  	v1 =	vld [tilespmem:s14+$0x2850];
	_ =	sdelay $0x4  }
0x32: {  	v2 =	vld [tilespmem:s14+$0x50];
	_ =	sdelay $0x2  }
0x33: {  	v1 =	vld.idx.msk [tilespmem:v1+s10+$0x0], $0xffff;
	_ =	sdelay $0x4  }
0x34: {  	[tilespmem:v2+s11+$0x0] =	vst.idx.add.f32.msk $0xffff, v1  }
0x35: {  	v1 =	vld [tilespmem:s14+$0x2860];
	_ =	sdelay $0x4  }
0x36: {  	v2 =	vld [tilespmem:s14+$0x60];
	_ =	sdelay $0x2  }
0x37: {  	v1 =	vld.idx.msk [tilespmem:v1+s10+$0x0], $0xffff;
	_ =	sdelay $0x4  }
0x38: {  	[tilespmem:v2+s11+$0x0] =	vst.idx.add.f32.msk $0xffff, v1  }
0x39: {  	v1 =	vld [tilespmem:s14+$0x2870];
	_ =	sdelay $0x4  }
0x3a: {  	v2 =	vld [tilespmem:s14+$0x70];
	_ =	sdelay $0x2  }
0x3b: {  	p0 =	sne.s32 s13, $0x9E00;
	v1 =	vld.idx.msk [tilespmem:v1+s10+$0x0], $0xffff  }
.Ltmp1:
0x3c: {  	_ = 	snop;
	(pc) =	sbr.rel @p0 .LBB2_4-.Ltmp1, $2  }
0x3d: {  	_ =	sdelay $0x2  }
0x3e: {  	s13 =	sadd.s32 $0x200, s13;
	[tilespmem:v2+s11+$0x0] =	vst.idx.add.f32.msk $0xffff, v1  }
0x3f: {  	s12 =	sadd.s32 $0x1, s12  }
0x40: {  	p0 =	sne.s32 s12, s7  }
.Ltmp2:
0x41: {  	_ = 	snop;
	(pc) =	sbr.rel @p0 .LBB2_1-.Ltmp2, $4  }
0x42: {  	[hbm4b:s6+s2] =	stream.linear.scatter [tilespmem:s11], [sflag:$0x1], $0x2800, $0x38;
	[tilespmem:$0xA000] =	vst v63  }
0x43: {  	_ =	swait.ge [sflag:s8], $0x2800  }
0x44: {  	[sflag:s8] =	ssyncset.done $0x0  }
0x45: {  	[sflag:s8] =	ssyncadd.s32 $0xFFFFD800  }
0x46: {  	_ =	sfence.sel $0x180000  }
0x47: {  	[bflag:$0x0] =	sbarrier.arrive $0xFFFF  }
0x48: {  	p0 =	sne.s32 s0, $0x0;
	_ =	strace $0x9000004A  }
0x49: {  	s0 =	sadd.s32 @!p0 $0x100000, s1;
	[bflag:$0x2] =	sbarrier.arrive $0xFFFF  }
0x4a: {  	[sflag:s0] =	ssyncadd.tile.s32 @!p0 $0x1;
	_ =	shalt  }
.Lfunc_end2:
_tile_overlayer_lowered:
.L_overlay_start_2:
0x4b: {  	(tag) =	ssettag $0x2  }
0x4c: {  	s0 =	rddreg [dreg:$0x0];
	s2 =	stileid.u32  }
0x4d: {  	s1 =	rddreg [dreg:$0x1];
	p0 =	sne.s32 s2, $0x0  }
0x4e: {  	s3 =	rddreg [dreg:$0x2];
	[bflag:$0x3] =	sbarrier.arrive $0xFFFF;
	s2 =	simm.s32 @!p0 $0x1C01  }
0x4f: {  	[timem:s3], [sflag:s2] =	dma.local @!p0 [hbm:s0], s1  }
0x50: {  	s0 =	simm.s32 @!p0 $0x1  }
0x51: {  	_ =	swait.ge @!p0 [sflag:s0], s1  }
0x52: {  	s1 =	ssub.s32 @!p0 $0x0, s1;
	[sflag:s0] =	ssyncset.done @!p0 $0x0  }
0x53: {  	[sflag:s0] =	ssyncadd.s32 @!p0 s1  }
0x54: {  	[bflag:$0x3] =	sbarrier.arrive $0xFFFF  }
0x55: {  	_ =	shalt  }

// kernel: kernel.13.cloned.1.call-start
scs
__scs_entry_jumppad:
0x0: {  	(pc) =	sbr.rel $0x88, $3  }
0x1: {  	(tag) =	ssettag $0x0;
	lr =	simm.s32 $0x1  }
0x2: {  	[smem:$0x3F9B] =	sst lr;
	_ =	strace $0xD0000000  }
0x3: {  	_ = 	snop  }
0x4: {  	_ = 	snop  }
0x5: {  	_ = 	snop  }
0x6: {  	_ = 	snop  }
0x7: {  	_ = 	snop  }
__scs_overlays_trampoline_lowered:
0x8: {  	[smem:$0x3FAA] =	sst s0  }
0x9: {  	[smem:$0x3FAB] =	sst s1  }
0xa: {  	[smem:$0x3FAC] =	sst s2  }
0xb: {  	[smem:$0x3FAD] =	sst s3  }
0xc: {  	[smem:$0x3FAE] =	sst s4  }
0xd: {  	[smem:$0x3FAF] =	sst s5  }
0xe: {  	[smem:$0x3FB0] =	sst s6  }
0xf: {  	[smem:$0x3FB1] =	sst s7  }
0x10: {  	[smem:$0x3FB2] =	sst s8  }
0x11: {  	[smem:$0x3FB3] =	sst s9;
	s0 =	simm.s32 @!p0 $0x0  }
0x12: {  	s1 =	sld [smem:$0x3F99];
	s0 =	simm.s32 @p0 $0x1  }
0x13: {  	[smem:$0x3FB4] =	sst s0;
	s0 =	simm.s32 @!p1 $0x0  }
0x14: {  	s2 =	sld [smem:$0x3F98];
	s0 =	simm.s32 @p1 $0x1  }
0x15: {  	[smem:$0x3FB5] =	sst s0;
	s0 =	simm.s32 @!p2 $0x0  }
0x16: {  	s3 =	sld [smem:$0x3FDB];
	s0 =	simm.s32 @p2 $0x1  }
0x17: {  	s4 =	simm.s32 $0x1BF5;
	[smem:$0x3FB7] =	sst s0  }
0x18: {  	s0 =	sld [smem:$0x3F9A];
	_ =	swait.ge [sflag:s4], $0x0  }
0x19: {  	s7 =	sld [smem:$0x3F9B]  }
0x1a: {  	s8 =	sadd.s32 $0xFFFFE003, lr  }
0x1b: {  	s9 =	sadd.s32 $0xFFFFFEF7, lr;
	s5 =	simm.s32 $0xFFFFFFFF;
	p2 =	slt.u32 s8, $0xFFFFF086  }
0x1c: {  	p1 =	slt.u32 s9, $0xF7A;
	s5 =	simm.s32 @!p2 $0x0  }
0x1d: {  	s5 =	simm.s32 @p1 $0x1;
	p0 =	seq.s32 s7, s2  }
0x1e: {  	s7 =	smul.u32 @!p0 $0xF7A, s2;
	p2 =	seq.s32 @!p0 s5, $0x0  }
0x1f: {  	s9 =	smul.u32 $0xF7A, s1;
	s8 =	simm.s32 @!p0 $0x1BF5;
	p2 =	por !p2, p0  }
0x20: {  	[sflag:s8] =	ssyncset.s32 @!p0 $0xFFFFF086;
	s6 =	sadd.s32 @!p0 s3, s7;
	s7 =	simm.s32 @!p0 $0x108  }
0x21: {  	s3 =	sadd.s32 s3, s9;
	s6 =	sadd.s32 @!p0 $0x88, s6;
	s7 =	simm.s32 @p2 $0x1082  }
0x22: {  	[simem:s7], [sflag:s8] =	dma.local @!p0 [hbm:s6], $0xF7A  }
0x23: {  	s9 =	sor.u32 $0xD0000000, s2;
	s6 =	simm.s32 $0x108;
	_ =	swait.ge @!p0 [sflag:s8], $0x0  }
0x24: {  	s3 =	sadd.s32 $0x88, s3;
	s6 =	simm.s32 @!p1 $0x1082;
	[sflag:s4] =	ssyncset.s32 $0xFFFFF086  }
0x25: {  	[simem:s6], [sflag:s4] =	dma.local [hbm:s3], $0xF7A  }
0x26: {  	[smem:$0x3F9B] =	sst s1;
	(tag) =	ssettag s2;
	_ =	strace s9  }
0x27: {  	s1 =	sld [smem:$0x3FAB]  }
0x28: {  	s2 =	sld [smem:$0x3FAC]  }
0x29: {  	s4 =	sld [smem:$0x3FAE]  }
0x2a: {  	p0 =	seq.s32 s5, $0x0;
	s5 =	sld [smem:$0x3FAF]  }
0x2b: {  	s6 =	sld [smem:$0x3FB0]  }
0x2c: {  	s7 =	sld [smem:$0x3FB1]  }
0x2d: {  	s3 =	simm.s32 $0x108;
	s8 =	sld [smem:$0x3FB2]  }
0x2e: {  	s3 =	simm.s32 @!p0 $0x1082;
	s9 =	sld [smem:$0x3FB3]  }
0x2f: {  	lr =	sadd.s32 s0, s3;
	s0 =	sld [smem:$0x3FAA]  }
0x30: {  	s3 =	sld [smem:$0x3FAD]  }
0x31: {  	[smem:$0x3FB6] =	sst s10  }
0x32: {  	s10 =	sld [smem:$0x3FB4];
	_ =	sdelay $0x3  }
0x33: {  	p0 =	seq.s32 s10, $0x1;
	s10 =	sld [smem:$0x3FB6];
	_ =	sdelay $0x3  }
0x34: {  	[smem:$0x3FB6] =	sst s10  }
0x35: {  	s10 =	sld [smem:$0x3FB5];
	_ =	sdelay $0x3  }
0x36: {  	p1 =	seq.s32 s10, $0x1;
	s10 =	sld [smem:$0x3FB6];
	_ =	sdelay $0x3  }
0x37: {  	[smem:$0x3FB6] =	sst s10  }
0x38: {  	s10 =	sld [smem:$0x3FB7]  }
0x39: {  	_ = 	snop;
	(pc) =	sbr.ind lr, $3  }
0x3a: {  	_ = 	snop  }
0x3b: {  	_ = 	snop  }
0x3c: {  	p2 =	seq.s32 s10, $0x1;
	s10 =	sld [smem:$0x3FB6]  }
0x3d: {  	_ =	shalt  }
0x3e: {  	_ =	shalt  }
0x3f: {  	_ =	shalt  }
0x40: {  	_ =	shalt  }
0x41: {  	_ =	shalt  }
0x42: {  	_ =	shalt  }
0x43: {  	_ =	shalt  }
0x44: {  	_ =	shalt  }
0x45: {  	_ =	shalt  }
0x46: {  	_ =	shalt  }
0x47: {  	_ =	shalt  }
0x48: {  	_ =	shalt  }
0x49: {  	_ =	shalt  }
0x4a: {  	_ =	shalt  }
0x4b: {  	_ =	shalt  }
0x4c: {  	_ =	shalt  }
0x4d: {  	_ =	shalt  }
0x4e: {  	_ =	shalt  }
0x4f: {  	_ =	shalt  }
0x50: {  	_ =	shalt  }
0x51: {  	_ =	shalt  }
0x52: {  	_ =	shalt  }
0x53: {  	_ =	shalt  }
0x54: {  	_ =	shalt  }
0x55: {  	_ =	shalt  }
0x56: {  	_ =	shalt  }
0x57: {  	_ =	shalt  }
0x58: {  	_ =	shalt  }
0x59: {  	_ =	shalt  }
0x5a: {  	_ =	shalt  }
0x5b: {  	_ =	shalt  }
0x5c: {  	_ =	shalt  }
0x5d: {  	_ =	shalt  }
0x5e: {  	_ =	shalt  }
0x5f: {  	_ =	shalt  }
0x60: {  	_ =	shalt  }
0x61: {  	_ =	shalt  }
0x62: {  	_ =	shalt  }
0x63: {  	_ =	shalt  }
0x64: {  	_ =	shalt  }
0x65: {  	_ =	shalt  }
0x66: {  	_ =	shalt  }
0x67: {  	_ =	shalt  }
0x68: {  	_ =	shalt  }
0x69: {  	_ =	shalt  }
0x6a: {  	_ =	shalt  }
0x6b: {  	_ =	shalt  }
0x6c: {  	_ =	shalt  }
0x6d: {  	_ =	shalt  }
0x6e: {  	_ =	shalt  }
0x6f: {  	_ =	shalt  }
0x70: {  	_ =	shalt  }
0x71: {  	_ =	shalt  }
0x72: {  	_ =	shalt  }
0x73: {  	_ =	shalt  }
0x74: {  	_ =	shalt  }
0x75: {  	_ =	shalt  }
0x76: {  	_ =	shalt  }
0x77: {  	_ =	shalt  }
0x78: {  	_ =	shalt  }
0x79: {  	_ =	shalt  }
0x7a: {  	_ =	shalt  }
0x7b: {  	_ =	shalt  }
0x7c: {  	_ =	shalt  }
0x7d: {  	_ =	shalt  }
0x7e: {  	_ =	shalt  }
0x7f: {  	_ =	shalt  }
0x80: {  	_ =	shalt  }
0x81: {  	_ =	shalt  }
0x82: {  	_ =	shalt  }
0x83: {  	_ =	shalt  }
0x84: {  	_ =	shalt  }
0x85: {  	_ =	shalt  }
0x86: {  	_ =	shalt  }
0x87: {  	_ =	shalt  }
.Lfunc_end0:
.L_simem_size_0:
called_computation.2_lowered:
.L_overlay_start_0:
0x88: {  	s2 =	sld [smem:$0x3FD9]  }
0x89: {  	s3 =	sld [smem:$0x3FFE];
	_ =	sdelay $0x1  }
0x8a: {  	s1 =	srdreg.scid  }
0x8b: {  	s0 =	sand.u32 $0x1, s1  }
0x8c: {  	s17 =	sshll.u32 s0, $0xA;
	s2 =	sadd.s32 s3, s2  }
0x8d: {  	s2 =	sadd.s32 s2, s17  }
0x8e: {  	[smem:$0x3FC2] =	sst s2  }
0x8f: {  	_ = 	snop  }
0x90: {  	(tm) =	ssettm $0x1  }
0x91: {  	s18 =	sld [smem:$0x3FFB];
	_ =	sdelay $0x3  }
0x92: {  	_ =	strace s18  }
0x93: {  	s2 =	sld [smem:$0x3FFC];
	_ =	sdelay $0x3  }
0x94: {  	_ =	strace s2  }
0x95: {  	s2 =	sld [smem:$0x3FFD];
	_ =	sdelay $0x3  }
0x96: {  	_ =	strace s2  }
0x97: {  	_ =	strace $0x8FFFFFFF  }
0x98: {  	s19 =	sld [smem:$0x3FDB];
	_ =	sdelay $0x1  }
0x99: {  	s20 =	simm.s32 $_scs_section_size  }
0x9a: {  	s4 =	simm.s32 $_size__tile_overlayer_lowered;
	s5 =	simm.s32 $_tile_overlayer_lowered  }
0x9b: {  	s6 =	simm.s32 $0x1BFF;
	s21 =	sshll.u32 s5, $0x1;
	s3 =	sadd.s32 s20, s19  }
0x9c: {  	s22 =	simm.s32 $0x0;
	s4 =	sshll.u32 s4, $0x1;
	s5 =	sadd.s32 s21, s3  }
0x9d: {  	[timem:s22], [sflag:s6] =	dma.local [hbm:s5], s4  }
0x9e: {  	_ =	swait.ge [sflag:s6], s4  }
0x9f: {  	s4 =	ssub.s32 $0x0, s4;
	[sflag:s6] =	ssyncset.done $0x0  }
0xa0: {  	[sflag:s6] =	ssyncadd.s32 s4;
	_ =	sdelay $0x1  }
0xa1: {  	s23 =	simm.s32 $0x1B8B  }
0xa2: {  	_ =	swait.ge [sflag:s23], $0x1  }
0xa3: {  	[sflag:s23] =	ssyncset.done $0x0  }
0xa4: {  	[sflag:s23] =	ssyncadd.s32 $0xFFFFFFFF  }
0xa5: {  	s4 =	sld [smem:$0x0]  }
0xa6: {  	s5 =	sand.u32 $0xFFFFFFFE, s1  }
0xa7: {  	p0 =	sne.s32 s1, s5  }
0xa8: {  	s5 =	sshll.u32 @p0 s5, $0xE  }
0xa9: {  	s5 =	sadd.s32 @p0 $0x11B8D, s5;
	s6 =	sshll.u32 @p0 s4, $0x11  }
0xaa: {  	s5 =	sor.u32 @p0 s6, s5  }
0xab: {  	[sflag:s5] =	ssyncadd.remote.s32 @p0 $0x1;
	_ =	sdelay $0x1  }
0xac: {  	s5 =	simm.s32 @p0 $0x1B8D  }
0xad: {  	_ =	swait.eq @p0 [sflag:s5], $0x1  }
0xae: {  	[sflag:s5] =	ssyncadd.s32 @p0 $0xFFFFFFFF  }
0xaf: {  	s6 =	sshll.u32 @!p0 s1, $0xE  }
0xb0: {  	s6 =	sor.u32 @!p0 $0x4000, s6;
	s5 =	simm.s32 @!p0 $0x1B8D  }
0xb1: {  	s4 =	sshll.u32 @!p0 s4, $0x11;
	s6 =	sadd.s32 @!p0 $0x11B8D, s6;
	_ =	swait.eq @!p0 [sflag:s5], $0x1  }
0xb2: {  	s4 =	sor.u32 @!p0 s4, s6;
	[sflag:s5] =	ssyncadd.s32 @!p0 $0xFFFFFFFF  }
0xb3: {  	s25 =	simm.s32 $0x1B8E;
	s24 =	sld [smem:$0x3FFE];
	[sflag:s4] =	ssyncadd.remote.s32 @!p0 $0x1  }
0xb4: {  	s26 =	simm.s32 $execute0_lowered;
	[smem:$0x3FD2] =	sst s25  }
0xb5: {  	s5 =	sshll.u32 s26, $0x1;
	_ =	strace $0x8000004C;
	[dreg:$0x1] =	wrdreg $0xFFFFFFFF  }
0xb6: {  	s28 =	simm.s32 $_size_execute0_lowered;
	s3 =	sadd.s32 s3, s5;
	[dreg:$0x0] =	wrdreg $0x0  }
0xb7: {  	s5 =	sshll.u32 s28, $0x1;
	[dreg:$0x2] =	wrdreg s3  }
0xb8: {  	[dreg:$0x3] =	wrdreg s5  }
0xb9: {  	[dreg:$0x4] =	wrdreg $0xC0  }
0xba: {  	_ =	task [dreg:s22], $0x5FFFF  }
0xbb: {  	[dreg:$0x1] =	wrdreg $0xFFFFFFFF  }
0xbc: {  	[dreg:$0x0] =	wrdreg $0x60  }
0xbd: {  	[dreg:$0x2] =	wrdreg s24  }
0xbe: {  	[dreg:$0x3] =	wrdreg $0xE0000  }
0xbf: {  	[dreg:$0x4] =	wrdreg $0x180000  }
0xc0: {  	[dreg:$0x5] =	wrdreg $0xA  }
0xc1: {  	_ =	task.clear_ibuf [dreg:s22], $0x6FFFF;
	_ =	strace $0x9000004C  }
0xc2: {  	s29 =	simm.s32 $0xA;
	_ =	strace $0x8000004E  }
0xc3: {  	_ =	swait.ge [sflag:s29], $0x1  }
0xc4: {  	[sflag:s29] =	ssyncadd.s32 $0xFFFFFFFF  }
0xc5: {  	_ =	strace $0x9000004E  }
0xc6: {  	_ =	sfence  }
0xc7: {  	s30 =	sld [smem:$0x0];
	_ =	sdelay $0x2  }
0xc8: {  	s31 =	sshll.u32 s1, $0xD;
	s1 =	sshrl.u32 s1, $0x2  }
0xc9: {  	s4 =	sand.u32 $0x4000, s31;
	s1 =	sadd.s32 s1, s30  }
0xca: {  	s0 =	sor.u32 s4, s0;
	s1 =	sshll.u32 s1, $0x11  }
0xcb: {  	s0 =	sor.u32 s1, s0  }
0xcc: {  	s0 =	sadd.s32 $0x8F2B, s0  }
0xcd: {  	[sflag:s0] =	ssyncadd.remote.s32 $0x1  }
0xce: {  	_ =	sfence.sel $0xFFFF  }
0xcf: {  	[dreg:$0x0] =	wrdreg $0xFFFFFFFF;
	(pc) =	sbr.abs _section_cstart, $3  }
0xd0: {  	[dreg:$0x1] =	wrdreg $0xFFFFFFFF  }
0xd1: {  	_ =	task.clear_ibuf [dreg:s22], $0x2FFFF;
	_ =	strace $0x9FFFFFFF  }
0xd2: {  	(tm) =	ssettm $0x7FFFFFFF  }
0xd3: {  	_ =	shalt  }
tec
execute0_lowered:
.L_overlay_start_1:
0x0: {  	(tag) =	ssettag $0x1  }
0x1: {  	s0 =	rddreg [dreg:$0x0]  }
0x2: {  	s1 =	rddreg [dreg:$0x1];
	s16 =	stileid.u32  }
0x3: {  	s3 =	srdreg.scid;
	s2 =	rddreg [dreg:$0x2];
	s15 =	simm.s32 $0x2AE00  }
0x4: {  	s28 =	simm.s32 $0x5;
	s29 =	simm.s32 $0x2;
	s30 =	simm.s32 $0x6  }
0x5: {  	s31 =	simm.s32 $0x3;
	s4 =	sand.u32 $0x1, s3;
	s7 =	smul.u32 $0xA000, s16  }
0x6: {  	s3 =	simm.s32 $0x0;
	s6 =	smul.u32 $0xA00, s16;
	s10 =	sadd.s32 $0x20400, s0  }
0x7: {  	s22 =	smul.u32 $0x9C80, s16;
	s25 =	sand.u32 $0x1, s16;
	s26 =	sshll.u32 s16, $0x6  }
0x8: {  	s5 =	smul.u32 $0x140000, s4;
	[smem:$0x7FF] =	sst s3;
	s8 =	ssub.s32 $0x2, s4  }
0x9: {  	p0 =	seq.s32 s4, $0x1;
	p1 =	seq.s32 s25, $0x1;
	s25 =	simm.s32 $0xD000  }
0xa: {  	_ =	strace $0x8000004D;
	s6 =	sadd.s32 s6, s0;
	s9 =	sshrl.u32 s8, $0x1  }
0xb: {  	[dreg:$0x4] =	wrdreg s10;
	s21 =	sshrl.u32 s7, $0x1;
	s12 =	sshrl.u32 s7, $0x4  }
0xc: {  	s24 =	sshrl.u32 s22, $0x1;
	s13 =	sshrl.u32 s22, $0x4;
	s15 =	simm.s32 @!p0 $0x20E00  }
0xd: {  	s22 =	simm.s32 $0x0;
	s5 =	sadd.s32 s7, s5;
	s11 =	ssub.s32 s8, s9  }
0xe: {  	s20 =	sadd.s32 $0xBE00, s6;
	s6 =	sadd.s32 $0x1E00, s6;
	s23 =	sadd.s32 s21, s1  }
0xf: {  	s14 =	sadd.s32 s24, s2;
	s7 =	simm.s32 $0x50000;
	s21 =	simm.s32 $0xB000  }
0x10: {  	s5 =	sshrl.u32 s5, $0x4;
	[dreg:$0x5] =	wrdreg s20;
	s7 =	simm.s32 @!p1 $0x0  }
0x11: {  	s18 =	sadd.s32 $0x50000, s23;
	s10 =	smax.u32 s11, $0x1;
	s16 =	sshrl.u32 s23, $0x3  }
0x12: {  	s17 =	sshrl.u32 s14, $0x3;
	s20 =	simm.s32 $0xA000;
	s23 =	simm.s32 $0xC000  }
0x13: {  	s14 =	simm.s32 $0x8;
	s19 =	sadd.s32 s5, s0;
	s7 =	sadd.s32 s7, s1  }
0x14: {  	s0 =	sadd.s32 s15, s0;
	s15 =	sor.u32 $0x1C09, s26;
	s18 =	sshrl.u32 s18, $0x3  }
0x15: {  	s26 =	simm.s32 $0x1;
	s1 =	simm.s32 $0x7;
	s8 =	sadd.s32 $0x34E00, s19  }
0x16: {  	s9 =	sadd.s32 $0x3EE00, s19;
	s11 =	sadd.s32 s0, s12;
	s12 =	sadd.s32 s0, s13  }
0x17: {  	s13 =	simm.s32 $0x9;
	s19 =	simm.s32 $0x80;
	s0 =	simm.s32 $0x4  }
.LBB2_1:
0x18: {  	s4 =	rddreg [dreg:$0x5]  }
0x19: {  	[tilespmem:s3], [sflag:$0x9] =	stream.linear.gather [hbm4b:s4+s3], $0x5000, $0x38;
	[tilespmem:$0x1CE40] =	vst v63  }
0x1a: {  	_ =	swait.ge [sflag:s13], $0x5000  }
0x1b: {  	[sflag:s13] =	ssyncset.done $0x0  }
0x1c: {  	s24 =	simm.s32 $0x5000;
	[sflag:s13] =	ssyncadd.s32 $0xFFFFB000  }
0x1d: {  	[tilespmem:s24], [sflag:$0x9] =	stream.linear.gather [hbm4b:s6+s3], $0x5000, $0x38;
	[tilespmem:$0x1CE40] =	vst v63  }
0x1e: {  	_ =	swait.ge [sflag:s13], $0x5000  }
0x1f: {  	[sflag:s13] =	ssyncset.done $0x0  }
0x20: {  	[sflag:s13] =	ssyncadd.s32 $0xFFFFB000  }
0x21: {  	[spmem:s16], [sflag:s15] =	dma.local [hbm:s11], $0xA00  }
0x22: {  	_ =	swait.ge [sflag:s13], $0xA00  }
0x23: {  	[sflag:s13] =	ssyncset.done $0x0  }
0x24: {  	[sflag:s13] =	ssyncadd.s32 $0xFFFFF600  }
0x25: {  	[spmem:s17], [sflag:s15] =	dma.local [hbm:s12], $0x9C8  }
0x26: {  	_ =	swait.ge [sflag:s13], $0x9C8  }
0x27: {  	[sflag:s13] =	ssyncset.done $0x0  }
0x28: {  	s5 =	rddreg [dreg:$0x4];
	[sflag:s13] =	ssyncadd.s32 $0xFFFFF638  }
0x29: {  	[spmem:s18], [sflag:s15] =	dma.local [hbm:s5], $0xA00  }
0x2a: {  	_ =	swait.ge [sflag:s13], $0xA00  }
0x2b: {  	[sflag:s13] =	ssyncset.done $0x0  }
0x2c: {  	[sflag:s13] =	ssyncadd.s32 $0xFFFFF600  }
0x2d: {  	[bflag:$0x0] =	sbarrier.arrive $0xFFFF  }
0x2e: {  	[tilespmem:s20], [sflag:$0x1] =	stream.indirect.gather [spmem:s2], $0x20, s3, s19, $0xb8;
	[tilespmem:$0x1CE40] =	vst v63  }
0x2f: {  	_ = 	snop  }
0x30: {  	[tilespmem:s21], [sflag:$0x2] =	stream.indirect.gather [spmem:s2], $0x20, s19, s19, $0xb8;
	[tilespmem:$0x1CE40] =	vst v63  }
0x31: {  	s24 =	simm.s32 $0x100  }
0x32: {  	[tilespmem:s23], [sflag:$0x3] =	stream.indirect.gather [spmem:s2], $0x20, s24, s19, $0xb8;
	[tilespmem:$0x1CE40] =	vst v63  }
0x33: {  	s5 =	simm.s32 $0x180  }
0x34: {  	[tilespmem:s25], [sflag:$0x4] =	stream.indirect.gather [spmem:s2], $0x20, s5, s19, $0xb8;
	[tilespmem:$0x1CE40] =	vst v63  }
0x35: {  	_ =	swait.ge [sflag:s26], $0x1000  }
0x36: {  	[sflag:s26] =	ssyncset.done $0x0  }
0x37: {  	s24 =	simm.s32 $0x5000;
	[sflag:s26] =	ssyncadd.s32 $0xFFFFF000  }
0x38: {  	[spmem:s7] =	stream.indirect.scatter.add.bf16 [tilespmem:s20], [sflag:$0x5], $0x20, s24, s19, $0xb8;
	[tilespmem:$0x1CE40] =	vst v63  }
0x39: {  	_ =	swait.ge [sflag:s28], $0x1000  }
0x3a: {  	[sflag:s28] =	ssyncset.done $0x0  }
0x3b: {  	s5 =	simm.s32 $0x200;
	[sflag:s28] =	ssyncadd.s32 $0xFFFFF000  }
0x3c: {  	[tilespmem:s20], [sflag:$0x1] =	stream.indirect.gather [spmem:s2], $0x20, s5, s19, $0xb8;
	[tilespmem:$0x1CE40] =	vst v63  }
0x3d: {  	_ =	swait.ge [sflag:s29], $0x1000  }
0x3e: {  	[sflag:s29] =	ssyncset.done $0x0  }
0x3f: {  	s24 =	simm.s32 $0x5080;
	[sflag:s29] =	ssyncadd.s32 $0xFFFFF000  }
0x40: {  	[spmem:s7] =	stream.indirect.scatter.add.bf16 [tilespmem:s21], [sflag:$0x6], $0x20, s24, s19, $0xb8;
	[tilespmem:$0x1CE40] =	vst v63  }
0x41: {  	_ =	swait.ge [sflag:s30], $0x1000  }
0x42: {  	[sflag:s30] =	ssyncset.done $0x0  }
0x43: {  	s5 =	simm.s32 $0x280;
	[sflag:s30] =	ssyncadd.s32 $0xFFFFF000  }
0x44: {  	[tilespmem:s21], [sflag:$0x2] =	stream.indirect.gather [spmem:s2], $0x20, s5, s19, $0xb8;
	[tilespmem:$0x1CE40] =	vst v63  }
0x45: {  	_ =	swait.ge [sflag:s31], $0x1000  }
0x46: {  	[sflag:s31] =	ssyncset.done $0x0  }
0x47: {  	s24 =	simm.s32 $0x5100;
	[sflag:s31] =	ssyncadd.s32 $0xFFFFF000  }
0x48: {  	[spmem:s7] =	stream.indirect.scatter.add.bf16 [tilespmem:s23], [sflag:$0x7], $0x20, s24, s19, $0xb8;
	[tilespmem:$0x1CE40] =	vst v63  }
0x49: {  	_ =	swait.ge [sflag:s1], $0x1000  }
0x4a: {  	[sflag:s1] =	ssyncset.done $0x0  }
0x4b: {  	s5 =	simm.s32 $0x300;
	[sflag:s1] =	ssyncadd.s32 $0xFFFFF000  }
0x4c: {  	[tilespmem:s23], [sflag:$0x3] =	stream.indirect.gather [spmem:s2], $0x20, s5, s19, $0xb8;
	[tilespmem:$0x1CE40] =	vst v63  }
0x4d: {  	_ =	swait.ge [sflag:s0], $0x1000  }
0x4e: {  	[sflag:s0] =	ssyncset.done $0x0  }
0x4f: {  	s24 =	simm.s32 $0x5180;
	[sflag:s0] =	ssyncadd.s32 $0xFFFFF000  }
0x50: {  	[spmem:s7] =	stream.indirect.scatter.add.bf16 [tilespmem:s25], [sflag:$0x8], $0x20, s24, s19, $0xb8;
	[tilespmem:$0x1CE40] =	vst v63  }
0x51: {  	_ =	swait.ge [sflag:s14], $0x1000  }
0x52: {  	[sflag:s14] =	ssyncset.done $0x0  }
0x53: {  	s4 =	simm.s32 $0x380;
	s24 =	simm.s32 $0x800;
	[sflag:s14] =	ssyncadd.s32 $0xFFFFF000  }
.LBB2_2:
0x54: {  	[tilespmem:s25], [sflag:$0x4] =	stream.indirect.gather [spmem:s2], $0x20, s4, s19, $0xb8;
	[tilespmem:$0x1CE40] =	vst v63  }
0x55: {  	s4 =	smov.u32 s24  }
0x56: {  	p0 =	sne.s32 s24, $0x13000;
	s24 =	sadd.s32 $0x800, s24;
	_ =	swait.ge [sflag:s26], $0x1000  }
0x57: {  	s4 =	sshra.s32 s4, $0x2;
	[sflag:s26] =	ssyncset.done $0x0  }
0x58: {  	s5 =	sadd.s32 $0x5000, s4;
	[sflag:s26] =	ssyncadd.s32 $0xFFFFF000  }
0x59: {  	[spmem:s7] =	stream.indirect.scatter.add.bf16 [tilespmem:s20], [sflag:$0x5], $0x20, s5, s19, $0xb8;
	[tilespmem:$0x1CE40] =	vst v63  }
0x5a: {  	_ =	swait.ge [sflag:s28], $0x1000  }
0x5b: {  	[sflag:s28] =	ssyncset.done $0x0  }
0x5c: {  	s5 =	sadd.s32 $0x200, s4;
	[sflag:s28] =	ssyncadd.s32 $0xFFFFF000  }
0x5d: {  	[tilespmem:s20], [sflag:$0x1] =	stream.indirect.gather [spmem:s2], $0x20, s5, s19, $0xb8;
	[tilespmem:$0x1CE40] =	vst v63  }
0x5e: {  	_ =	swait.ge [sflag:s29], $0x1000  }
0x5f: {  	[sflag:s29] =	ssyncset.done $0x0  }
0x60: {  	s5 =	sadd.s32 $0x5080, s4;
	[sflag:s29] =	ssyncadd.s32 $0xFFFFF000  }
0x61: {  	[spmem:s7] =	stream.indirect.scatter.add.bf16 [tilespmem:s21], [sflag:$0x6], $0x20, s5, s19, $0xb8;
	[tilespmem:$0x1CE40] =	vst v63  }
0x62: {  	_ =	swait.ge [sflag:s30], $0x1000  }
0x63: {  	[sflag:s30] =	ssyncset.done $0x0  }
0x64: {  	s5 =	sadd.s32 $0x280, s4;
	[sflag:s30] =	ssyncadd.s32 $0xFFFFF000  }
0x65: {  	[tilespmem:s21], [sflag:$0x2] =	stream.indirect.gather [spmem:s2], $0x20, s5, s19, $0xb8;
	[tilespmem:$0x1CE40] =	vst v63  }
0x66: {  	_ =	swait.ge [sflag:s31], $0x1000  }
0x67: {  	[sflag:s31] =	ssyncset.done $0x0  }
0x68: {  	s5 =	sadd.s32 $0x5100, s4;
	[sflag:s31] =	ssyncadd.s32 $0xFFFFF000  }
0x69: {  	[spmem:s7] =	stream.indirect.scatter.add.bf16 [tilespmem:s23], [sflag:$0x7], $0x20, s5, s19, $0xb8;
	[tilespmem:$0x1CE40] =	vst v63  }
0x6a: {  	_ =	swait.ge [sflag:s1], $0x1000  }
0x6b: {  	[sflag:s1] =	ssyncset.done $0x0  }
0x6c: {  	s5 =	sadd.s32 $0x300, s4;
	[sflag:s1] =	ssyncadd.s32 $0xFFFFF000  }
0x6d: {  	[tilespmem:s23], [sflag:$0x3] =	stream.indirect.gather [spmem:s2], $0x20, s5, s19, $0xb8;
	[tilespmem:$0x1CE40] =	vst v63  }
0x6e: {  	_ =	swait.ge [sflag:s0], $0x1000  }
0x6f: {  	[sflag:s0] =	ssyncset.done $0x0  }
.Ltmp0:
0x70: {  	s5 =	sadd.s32 $0x5180, s4;
	[sflag:s0] =	ssyncadd.s32 $0xFFFFF000;
	(pc) =	sbr.rel @p0 .LBB2_2-.Ltmp0, $4  }
0x71: {  	[spmem:s7] =	stream.indirect.scatter.add.bf16 [tilespmem:s25], [sflag:$0x8], $0x20, s5, s19, $0xb8;
	[tilespmem:$0x1CE40] =	vst v63  }
0x72: {  	_ =	swait.ge [sflag:s14], $0x1000  }
0x73: {  	[sflag:s14] =	ssyncset.done $0x0  }
0x74: {  	s4 =	sadd.s32 $0x380, s4;
	[sflag:s14] =	ssyncadd.s32 $0xFFFFF000  }
0x75: {  	[tilespmem:s25], [sflag:$0x4] =	stream.indirect.gather [spmem:s2], $0x20, s4, s19, $0xb8;
	[tilespmem:$0x1CE40] =	vst v63  }
0x76: {  	_ =	swait.ge [sflag:s26], $0x1000  }
0x77: {  	[sflag:s26] =	ssyncset.done $0x0  }
0x78: {  	s5 =	simm.s32 $0x9E00;
	[sflag:s26] =	ssyncadd.s32 $0xFFFFF000  }
0x79: {  	[spmem:s7] =	stream.indirect.scatter.add.bf16 [tilespmem:s20], [sflag:$0x5], $0x20, s5, s19, $0xb8;
	[tilespmem:$0x1CE40] =	vst v63  }
0x7a: {  	_ =	swait.ge [sflag:s28], $0x1000  }
0x7b: {  	[sflag:s28] =	ssyncset.done $0x0  }
0x7c: {  	[sflag:s28] =	ssyncadd.s32 $0xFFFFF000  }
0x7d: {  	_ =	swait.ge [sflag:s29], $0x1000  }
0x7e: {  	[sflag:s29] =	ssyncset.done $0x0  }
0x7f: {  	s24 =	simm.s32 $0x9E80;
	[sflag:s29] =	ssyncadd.s32 $0xFFFFF000  }
0x80: {  	[spmem:s7] =	stream.indirect.scatter.add.bf16 [tilespmem:s21], [sflag:$0x6], $0x20, s24, s19, $0xb8;
	[tilespmem:$0x1CE40] =	vst v63  }
0x81: {  	_ =	swait.ge [sflag:s30], $0x1000  }
0x82: {  	[sflag:s30] =	ssyncset.done $0x0  }
0x83: {  	[sflag:s30] =	ssyncadd.s32 $0xFFFFF000  }
0x84: {  	_ =	swait.ge [sflag:s31], $0x1000  }
0x85: {  	[sflag:s31] =	ssyncset.done $0x0  }
0x86: {  	s5 =	simm.s32 $0x9F00;
	[sflag:s31] =	ssyncadd.s32 $0xFFFFF000  }
0x87: {  	[spmem:s7] =	stream.indirect.scatter.add.bf16 [tilespmem:s23], [sflag:$0x7], $0x20, s5, s19, $0xb8;
	[tilespmem:$0x1CE40] =	vst v63  }
0x88: {  	_ =	swait.ge [sflag:s1], $0x1000  }
0x89: {  	[sflag:s1] =	ssyncset.done $0x0  }
0x8a: {  	[sflag:s1] =	ssyncadd.s32 $0xFFFFF000  }
0x8b: {  	_ =	swait.ge [sflag:s0], $0x1000  }
0x8c: {  	[sflag:s0] =	ssyncset.done $0x0  }
0x8d: {  	s24 =	simm.s32 $0x9F80;
	[sflag:s0] =	ssyncadd.s32 $0xFFFFF000  }
0x8e: {  	[spmem:s7] =	stream.indirect.scatter.add.bf16 [tilespmem:s25], [sflag:$0x8], $0x20, s24, s19, $0xb8;
	[tilespmem:$0x1CE40] =	vst v63  }
0x8f: {  	_ =	swait.ge [sflag:s14], $0x1000  }
0x90: {  	[sflag:s14] =	ssyncset.done $0x0  }
0x91: {  	[sflag:s14] =	ssyncadd.s32 $0xFFFFF000  }
0x92: {  	[bflag:$0x0] =	sbarrier.arrive $0xFFFF  }
0x93: {  	[hbm:s8], [sflag:s15] =	dma.local [spmem:s16], $0xA00  }
0x94: {  	s22 =	sadd.s32 $0x1, s22;
	_ =	swait.ge [sflag:s13], $0xA00  }
0x95: {  	p0 =	sne.s32 s22, s10;
	[sflag:s13] =	ssyncset.done $0x0  }
.Ltmp1:
0x96: {  	[sflag:s13] =	ssyncadd.s32 $0xFFFFF600;
	(pc) =	sbr.rel @p0 .LBB2_1-.Ltmp1, $4  }
0x97: {  	[hbm:s9], [sflag:s15] =	dma.local [spmem:s18], $0xA00  }
0x98: {  	_ =	swait.ge [sflag:s13], $0xA00  }
0x99: {  	[sflag:s13] =	ssyncset.done $0x0  }
0x9a: {  	[sflag:s13] =	ssyncadd.s32 $0xFFFFF600  }
0x9b: {  	_ =	sfence.sel $0x180000  }
0x9c: {  	[bflag:$0x0] =	sbarrier.arrive $0xFFFF  }
0x9d: {  	_ =	strace $0x9000004D  }
0x9e: {  	s0 =	stileid.u32;
	[bflag:$0x2] =	sbarrier.arrive $0xFFFF  }
0x9f: {  	p0 =	sne.s32 s0, $0x0;
	s0 =	rddreg [dreg:$0x3]  }
0xa0: {  	s0 =	sadd.s32 @!p0 $0x100000, s0  }
0xa1: {  	[sflag:s0] =	ssyncadd.tile.s32 @!p0 $0x1;
	_ =	shalt  }
.Lfunc_end2:
_tile_overlayer_lowered:
.L_overlay_start_2:
0xa2: {  	(tag) =	ssettag $0x2  }
0xa3: {  	s0 =	rddreg [dreg:$0x0];
	s2 =	stileid.u32  }
0xa4: {  	s1 =	rddreg [dreg:$0x1];
	p0 =	sne.s32 s2, $0x0  }
0xa5: {  	s3 =	rddreg [dreg:$0x2];
	[bflag:$0x3] =	sbarrier.arrive $0xFFFF;
	s2 =	simm.s32 @!p0 $0x1C09  }
0xa6: {  	[timem:s3], [sflag:s2] =	dma.local @!p0 [hbm:s0], s1  }
0xa7: {  	s0 =	simm.s32 @!p0 $0x9  }
0xa8: {  	_ =	swait.ge @!p0 [sflag:s0], s1  }
0xa9: {  	s1 =	ssub.s32 @!p0 $0x0, s1;
	[sflag:s0] =	ssyncset.done @!p0 $0x0  }
0xaa: {  	[sflag:s0] =	ssyncadd.s32 @!p0 s1  }
0xab: {  	[bflag:$0x3] =	sbarrier.arrive $0xFFFF  }
0xac: {  	_ =	shalt  }

// kernel: kernel.7.cloned.1.call-start
scs
__scs_entry_jumppad:
0x0: {  	(pc) =	sbr.rel $0x88, $3  }
0x1: {  	(tag) =	ssettag $0x0;
	lr =	simm.s32 $0x1  }
0x2: {  	[smem:$0x3F9B] =	sst lr;
	_ =	strace $0xD0000000  }
0x3: {  	_ = 	snop  }
0x4: {  	_ = 	snop  }
0x5: {  	_ = 	snop  }
0x6: {  	_ = 	snop  }
0x7: {  	_ = 	snop  }
__scs_overlays_trampoline_lowered:
0x8: {  	[smem:$0x3FAA] =	sst s0  }
0x9: {  	[smem:$0x3FAB] =	sst s1  }
0xa: {  	[smem:$0x3FAC] =	sst s2  }
0xb: {  	[smem:$0x3FAD] =	sst s3  }
0xc: {  	[smem:$0x3FAE] =	sst s4  }
0xd: {  	[smem:$0x3FAF] =	sst s5  }
0xe: {  	[smem:$0x3FB0] =	sst s6  }
0xf: {  	[smem:$0x3FB1] =	sst s7  }
0x10: {  	[smem:$0x3FB2] =	sst s8  }
0x11: {  	[smem:$0x3FB3] =	sst s9;
	s0 =	simm.s32 @!p0 $0x0  }
0x12: {  	s1 =	sld [smem:$0x3F99];
	s0 =	simm.s32 @p0 $0x1  }
0x13: {  	[smem:$0x3FB4] =	sst s0;
	s0 =	simm.s32 @!p1 $0x0  }
0x14: {  	s2 =	sld [smem:$0x3F98];
	s0 =	simm.s32 @p1 $0x1  }
0x15: {  	[smem:$0x3FB5] =	sst s0;
	s0 =	simm.s32 @!p2 $0x0  }
0x16: {  	s3 =	sld [smem:$0x3FDB];
	s0 =	simm.s32 @p2 $0x1  }
0x17: {  	s4 =	simm.s32 $0x1BF5;
	[smem:$0x3FB7] =	sst s0  }
0x18: {  	s0 =	sld [smem:$0x3F9A];
	_ =	swait.ge [sflag:s4], $0x0  }
0x19: {  	s7 =	sld [smem:$0x3F9B]  }
0x1a: {  	s8 =	sadd.s32 $0xFFFFE003, lr  }
0x1b: {  	s9 =	sadd.s32 $0xFFFFFEF7, lr;
	s5 =	simm.s32 $0xFFFFFFFF;
	p2 =	slt.u32 s8, $0xFFFFF086  }
0x1c: {  	p1 =	slt.u32 s9, $0xF7A;
	s5 =	simm.s32 @!p2 $0x0  }
0x1d: {  	s5 =	simm.s32 @p1 $0x1;
	p0 =	seq.s32 s7, s2  }
0x1e: {  	s7 =	smul.u32 @!p0 $0xF7A, s2;
	p2 =	seq.s32 @!p0 s5, $0x0  }
0x1f: {  	s9 =	smul.u32 $0xF7A, s1;
	s8 =	simm.s32 @!p0 $0x1BF5;
	p2 =	por !p2, p0  }
0x20: {  	[sflag:s8] =	ssyncset.s32 @!p0 $0xFFFFF086;
	s6 =	sadd.s32 @!p0 s3, s7;
	s7 =	simm.s32 @!p0 $0x108  }
0x21: {  	s3 =	sadd.s32 s3, s9;
	s6 =	sadd.s32 @!p0 $0x88, s6;
	s7 =	simm.s32 @p2 $0x1082  }
0x22: {  	[simem:s7], [sflag:s8] =	dma.local @!p0 [hbm:s6], $0xF7A  }
0x23: {  	s9 =	sor.u32 $0xD0000000, s2;
	s6 =	simm.s32 $0x108;
	_ =	swait.ge @!p0 [sflag:s8], $0x0  }
0x24: {  	s3 =	sadd.s32 $0x88, s3;
	s6 =	simm.s32 @!p1 $0x1082;
	[sflag:s4] =	ssyncset.s32 $0xFFFFF086  }
0x25: {  	[simem:s6], [sflag:s4] =	dma.local [hbm:s3], $0xF7A  }
0x26: {  	[smem:$0x3F9B] =	sst s1;
	(tag) =	ssettag s2;
	_ =	strace s9  }
0x27: {  	s1 =	sld [smem:$0x3FAB]  }
0x28: {  	s2 =	sld [smem:$0x3FAC]  }
0x29: {  	s4 =	sld [smem:$0x3FAE]  }
0x2a: {  	p0 =	seq.s32 s5, $0x0;
	s5 =	sld [smem:$0x3FAF]  }
0x2b: {  	s6 =	sld [smem:$0x3FB0]  }
0x2c: {  	s7 =	sld [smem:$0x3FB1]  }
0x2d: {  	s3 =	simm.s32 $0x108;
	s8 =	sld [smem:$0x3FB2]  }
0x2e: {  	s3 =	simm.s32 @!p0 $0x1082;
	s9 =	sld [smem:$0x3FB3]  }
0x2f: {  	lr =	sadd.s32 s0, s3;
	s0 =	sld [smem:$0x3FAA]  }
0x30: {  	s3 =	sld [smem:$0x3FAD]  }
0x31: {  	[smem:$0x3FB6] =	sst s10  }
0x32: {  	s10 =	sld [smem:$0x3FB4];
	_ =	sdelay $0x3  }
0x33: {  	p0 =	seq.s32 s10, $0x1;
	s10 =	sld [smem:$0x3FB6];
	_ =	sdelay $0x3  }
0x34: {  	[smem:$0x3FB6] =	sst s10  }
0x35: {  	s10 =	sld [smem:$0x3FB5];
	_ =	sdelay $0x3  }
0x36: {  	p1 =	seq.s32 s10, $0x1;
	s10 =	sld [smem:$0x3FB6];
	_ =	sdelay $0x3  }
0x37: {  	[smem:$0x3FB6] =	sst s10  }
0x38: {  	s10 =	sld [smem:$0x3FB7]  }
0x39: {  	_ = 	snop;
	(pc) =	sbr.ind lr, $3  }
0x3a: {  	_ = 	snop  }
0x3b: {  	_ = 	snop  }
0x3c: {  	p2 =	seq.s32 s10, $0x1;
	s10 =	sld [smem:$0x3FB6]  }
0x3d: {  	_ =	shalt  }
0x3e: {  	_ =	shalt  }
0x3f: {  	_ =	shalt  }
0x40: {  	_ =	shalt  }
0x41: {  	_ =	shalt  }
0x42: {  	_ =	shalt  }
0x43: {  	_ =	shalt  }
0x44: {  	_ =	shalt  }
0x45: {  	_ =	shalt  }
0x46: {  	_ =	shalt  }
0x47: {  	_ =	shalt  }
0x48: {  	_ =	shalt  }
0x49: {  	_ =	shalt  }
0x4a: {  	_ =	shalt  }
0x4b: {  	_ =	shalt  }
0x4c: {  	_ =	shalt  }
0x4d: {  	_ =	shalt  }
0x4e: {  	_ =	shalt  }
0x4f: {  	_ =	shalt  }
0x50: {  	_ =	shalt  }
0x51: {  	_ =	shalt  }
0x52: {  	_ =	shalt  }
0x53: {  	_ =	shalt  }
0x54: {  	_ =	shalt  }
0x55: {  	_ =	shalt  }
0x56: {  	_ =	shalt  }
0x57: {  	_ =	shalt  }
0x58: {  	_ =	shalt  }
0x59: {  	_ =	shalt  }
0x5a: {  	_ =	shalt  }
0x5b: {  	_ =	shalt  }
0x5c: {  	_ =	shalt  }
0x5d: {  	_ =	shalt  }
0x5e: {  	_ =	shalt  }
0x5f: {  	_ =	shalt  }
0x60: {  	_ =	shalt  }
0x61: {  	_ =	shalt  }
0x62: {  	_ =	shalt  }
0x63: {  	_ =	shalt  }
0x64: {  	_ =	shalt  }
0x65: {  	_ =	shalt  }
0x66: {  	_ =	shalt  }
0x67: {  	_ =	shalt  }
0x68: {  	_ =	shalt  }
0x69: {  	_ =	shalt  }
0x6a: {  	_ =	shalt  }
0x6b: {  	_ =	shalt  }
0x6c: {  	_ =	shalt  }
0x6d: {  	_ =	shalt  }
0x6e: {  	_ =	shalt  }
0x6f: {  	_ =	shalt  }
0x70: {  	_ =	shalt  }
0x71: {  	_ =	shalt  }
0x72: {  	_ =	shalt  }
0x73: {  	_ =	shalt  }
0x74: {  	_ =	shalt  }
0x75: {  	_ =	shalt  }
0x76: {  	_ =	shalt  }
0x77: {  	_ =	shalt  }
0x78: {  	_ =	shalt  }
0x79: {  	_ =	shalt  }
0x7a: {  	_ =	shalt  }
0x7b: {  	_ =	shalt  }
0x7c: {  	_ =	shalt  }
0x7d: {  	_ =	shalt  }
0x7e: {  	_ =	shalt  }
0x7f: {  	_ =	shalt  }
0x80: {  	_ =	shalt  }
0x81: {  	_ =	shalt  }
0x82: {  	_ =	shalt  }
0x83: {  	_ =	shalt  }
0x84: {  	_ =	shalt  }
0x85: {  	_ =	shalt  }
0x86: {  	_ =	shalt  }
0x87: {  	_ =	shalt  }
.Lfunc_end0:
.L_simem_size_0:
called_computation_lowered:
.L_overlay_start_0:
0x88: {  	s2 =	sld [smem:$0x3FD9]  }
0x89: {  	s3 =	sld [smem:$0x3FFE];
	_ =	sdelay $0x1  }
0x8a: {  	s1 =	srdreg.scid  }
0x8b: {  	s0 =	sand.u32 $0x1, s1  }
0x8c: {  	s16 =	sshll.u32 s0, $0xA;
	s2 =	sadd.s32 s3, s2  }
0x8d: {  	s2 =	sadd.s32 s2, s16  }
0x8e: {  	[smem:$0x3FC2] =	sst s2  }
0x8f: {  	_ = 	snop  }
0x90: {  	(tm) =	ssettm $0x1  }
0x91: {  	s17 =	sld [smem:$0x3FFB];
	_ =	sdelay $0x3  }
0x92: {  	_ =	strace s17  }
0x93: {  	s2 =	sld [smem:$0x3FFC];
	_ =	sdelay $0x3  }
0x94: {  	_ =	strace s2  }
0x95: {  	s2 =	sld [smem:$0x3FFD];
	_ =	sdelay $0x3  }
0x96: {  	_ =	strace s2  }
0x97: {  	_ =	strace $0x8FFFFFFF  }
0x98: {  	s18 =	sld [smem:$0x3FDB];
	_ =	sdelay $0x1  }
0x99: {  	s19 =	simm.s32 $_scs_section_size  }
0x9a: {  	s4 =	simm.s32 $_size__tile_overlayer_lowered;
	s5 =	simm.s32 $_tile_overlayer_lowered  }
0x9b: {  	s22 =	simm.s32 $0x1BFF;
	s21 =	sshll.u32 s5, $0x1;
	s2 =	sadd.s32 s19, s18  }
0x9c: {  	s6 =	simm.s32 $0x0;
	s20 =	sshll.u32 s4, $0x1;
	s4 =	sadd.s32 s21, s2  }
0x9d: {  	[timem:s6], [sflag:s22] =	dma.local [hbm:s4], s20  }
0x9e: {  	_ =	swait.ge [sflag:s22], s20  }
0x9f: {  	s3 =	ssub.s32 $0x0, s20;
	[sflag:s22] =	ssyncset.done $0x0  }
0xa0: {  	[sflag:s22] =	ssyncadd.s32 s3;
	_ =	sdelay $0x1  }
0xa1: {  	s23 =	simm.s32 $0x1B8B  }
0xa2: {  	_ =	swait.ge [sflag:s23], $0x1  }
0xa3: {  	[sflag:s23] =	ssyncset.done $0x0  }
0xa4: {  	s25 =	simm.s32 $0x1B8E;
	s24 =	sld [smem:$0x3FFE];
	[sflag:s23] =	ssyncadd.s32 $0xFFFFFFFF  }
0xa5: {  	s26 =	simm.s32 $execute0_lowered;
	[smem:$0x3FD2] =	sst s25  }
0xa6: {  	s4 =	sshll.u32 s26, $0x1;
	_ =	strace $0x80000046;
	[dreg:$0x1] =	wrdreg $0xFFFFFFFF  }
0xa7: {  	s28 =	simm.s32 $_size_execute0_lowered;
	s2 =	sadd.s32 s2, s4;
	[dreg:$0x0] =	wrdreg $0x0  }
0xa8: {  	s4 =	sshll.u32 s28, $0x1;
	[dreg:$0x2] =	wrdreg s2  }
0xa9: {  	[dreg:$0x3] =	wrdreg s4  }
0xaa: {  	[dreg:$0x4] =	wrdreg $0xC0  }
0xab: {  	_ =	task [dreg:s6], $0x5FFFF  }
0xac: {  	[dreg:$0x1] =	wrdreg $0xFFFFFFFF  }
0xad: {  	[dreg:$0x0] =	wrdreg $0x60  }
0xae: {  	[dreg:$0x2] =	wrdreg s24  }
0xaf: {  	[dreg:$0x3] =	wrdreg $0x9  }
0xb0: {  	_ =	task.clear_ibuf [dreg:s6], $0x4FFFF;
	_ =	strace $0x90000046  }
0xb1: {  	s29 =	simm.s32 $0x9;
	_ =	strace $0x80000048  }
0xb2: {  	_ =	swait.ge [sflag:s29], $0x1  }
0xb3: {  	[sflag:s29] =	ssyncadd.s32 $0xFFFFFFFF  }
0xb4: {  	_ =	strace $0x90000048  }
0xb5: {  	_ =	sfence  }
0xb6: {  	s30 =	sld [smem:$0x0];
	_ =	sdelay $0x2  }
0xb7: {  	s31 =	sshll.u32 s1, $0xD;
	s1 =	sshrl.u32 s1, $0x2  }
0xb8: {  	s3 =	sand.u32 $0x4000, s31;
	s1 =	sadd.s32 s1, s30  }
0xb9: {  	s0 =	sor.u32 s3, s0;
	s1 =	sshll.u32 s1, $0x11  }
0xba: {  	s0 =	sor.u32 s1, s0  }
0xbb: {  	s0 =	sadd.s32 $0x8F2B, s0  }
0xbc: {  	[sflag:s0] =	ssyncadd.remote.s32 $0x1  }
0xbd: {  	_ =	sfence.sel $0xFFFF  }
0xbe: {  	[dreg:$0x0] =	wrdreg $0xFFFFFFFF;
	(pc) =	sbr.abs _section_cstart, $3  }
0xbf: {  	[dreg:$0x1] =	wrdreg $0xFFFFFFFF  }
0xc0: {  	_ =	task.clear_ibuf [dreg:s6], $0x2FFFF;
	_ =	strace $0x9FFFFFFF  }
0xc1: {  	(tm) =	ssettm $0x7FFFFFFF  }
tec
execute0_lowered:
.L_overlay_start_1:
0x0: {  	(tag) =	ssettag $0x1  }
0x1: {  	s1 =	srdreg.scid  }
0x2: {  	s0 =	stileid.u32;
	s4 =	rddreg [dreg:$0x0];
	s2 =	simm.s32 $0x0  }
0x3: {  	s8 =	simm.s32 $0x1;
	s3 =	sand.u32 $0x1, s1;
	s30 =	sshll.u32 s0, $0x1  }
0x4: {  	s9 =	simm.s32 $0x2800;
	s10 =	simm.s32 $0x5000;
	s1 =	sor.u32 s3, s30  }
0x5: {  	s11 =	simm.s32 $0x7800;
	s3 =	ssub.s32 $0x2, s3;
	s5 =	smul.u32 $0x500, s1  }
0x6: {  	s12 =	simm.s32 $0x0;
	[smem:$0x7FF] =	sst s2;
	s31 =	sshrl.u32 s3, $0x1  }
0x7: {  	s1 =	rddreg [dreg:$0x1];
	s7 =	ssub.s32 s3, s31;
	s6 =	sadd.s32 s5, s4  }
0x8: {  	_ =	strace $0x80000047;
	s7 =	smax.u32 s7, $0x1;
	s3 =	sadd.s32 $0xBE00, s6  }
0x9: {  	v0 =	vimm.f32 $0.0e+00;
	v1 =	vimm.f32 $1.000000000e+00;
	s4 =	sadd.s32 $0x1E00, s6;
	s5 =	sadd.s32 $0x15E00, s6;
	s6 =	sadd.s32 $0x1FE00, s6  }
.LBB2_1:
0xa: {  	[tilespmem:s2], [sflag:$0x1] =	stream.linear.gather [hbm4b:s3+s2], $0x2800, $0x38;
	[tilespmem:$0xA000] =	vst v63  }
0xb: {  	_ =	swait.ge [sflag:s8], $0x2800  }
0xc: {  	[sflag:s8] =	ssyncset.done $0x0  }
0xd: {  	[sflag:s8] =	ssyncadd.s32 $0xFFFFD800  }
0xe: {  	[tilespmem:s9], [sflag:$0x1] =	stream.linear.gather [hbm4b:s4+s2], $0x2800, $0x38;
	[tilespmem:$0xA000] =	vst v63  }
0xf: {  	_ =	swait.ge [sflag:s8], $0x2800  }
0x10: {  	[sflag:s8] =	ssyncset.done $0x0  }
0x11: {  	s13 =	simm.s32 $0x0;
	[sflag:s8] =	ssyncadd.s32 $0xFFFFD800  }
.LBB2_2:
0x12: {  	p0 =	sne.s32 s13, $0x9FC0  }
.Ltmp0:
0x13: {  	_ = 	snop;
	(pc) =	sbr.rel @p0 .LBB2_2-.Ltmp0, $4  }
0x14: {  	_ = 	snop  }
0x15: {  	s14 =	sshra.s32 s13, $0x2  }
0x16: {  	[tilespmem:s14+$0x5000] =	vst v0  }
0x17: {  	s13 =	sadd.s32 $0x40, s13;
	[tilespmem:s14+$0x7800] =	vst v0  }
0x18: {  	s13 =	simm.s32 $0x0  }
.LBB2_4:
0x19: {  	s14 =	sshra.s32 s13, $0x2  }
0x1a: {  	v2 =	vld [tilespmem:s14+$0x0];
	_ =	sdelay $0x7  }
0x1b: {  	[tilespmem:v2+s10+$0x0] =	vst.idx.add.f32.msk $0xffff, v1  }
0x1c: {  	v2 =	vld [tilespmem:s14+$0x2800];
	_ =	sdelay $0x7  }
0x1d: {  	[tilespmem:v2+s11+$0x0] =	vst.idx.add.f32.msk $0xffff, v1  }
0x1e: {  	v2 =	vld [tilespmem:s14+$0x10];
	_ =	sdelay $0x7  }
0x1f: {  	[tilespmem:v2+s10+$0x0] =	vst.idx.add.f32.msk $0xffff, v1  }
0x20: {  	v2 =	vld [tilespmem:s14+$0x2810];
	_ =	sdelay $0x7  }
0x21: {  	[tilespmem:v2+s11+$0x0] =	vst.idx.add.f32.msk $0xffff, v1  }
0x22: {  	v2 =	vld [tilespmem:s14+$0x20];
	_ =	sdelay $0x7  }
0x23: {  	[tilespmem:v2+s10+$0x0] =	vst.idx.add.f32.msk $0xffff, v1  }
0x24: {  	v2 =	vld [tilespmem:s14+$0x2820];
	_ =	sdelay $0x7  }
0x25: {  	[tilespmem:v2+s11+$0x0] =	vst.idx.add.f32.msk $0xffff, v1  }
0x26: {  	v2 =	vld [tilespmem:s14+$0x30];
	_ =	sdelay $0x7  }
0x27: {  	[tilespmem:v2+s10+$0x0] =	vst.idx.add.f32.msk $0xffff, v1  }
0x28: {  	v2 =	vld [tilespmem:s14+$0x2830];
	_ =	sdelay $0x7  }
0x29: {  	[tilespmem:v2+s11+$0x0] =	vst.idx.add.f32.msk $0xffff, v1  }
0x2a: {  	v2 =	vld [tilespmem:s14+$0x40];
	_ =	sdelay $0x7  }
0x2b: {  	[tilespmem:v2+s10+$0x0] =	vst.idx.add.f32.msk $0xffff, v1  }
0x2c: {  	v2 =	vld [tilespmem:s14+$0x2840];
	_ =	sdelay $0x7  }
0x2d: {  	[tilespmem:v2+s11+$0x0] =	vst.idx.add.f32.msk $0xffff, v1  }
0x2e: {  	v2 =	vld [tilespmem:s14+$0x50];
	_ =	sdelay $0x7  }
0x2f: {  	[tilespmem:v2+s10+$0x0] =	vst.idx.add.f32.msk $0xffff, v1  }
0x30: {  	v2 =	vld [tilespmem:s14+$0x2850];
	_ =	sdelay $0x7  }
0x31: {  	[tilespmem:v2+s11+$0x0] =	vst.idx.add.f32.msk $0xffff, v1  }
0x32: {  	v2 =	vld [tilespmem:s14+$0x60];
	_ =	sdelay $0x7  }
0x33: {  	[tilespmem:v2+s10+$0x0] =	vst.idx.add.f32.msk $0xffff, v1  }
0x34: {  	v2 =	vld [tilespmem:s14+$0x2860];
	_ =	sdelay $0x7  }
0x35: {  	[tilespmem:v2+s11+$0x0] =	vst.idx.add.f32.msk $0xffff, v1  }
0x36: {  	v2 =	vld [tilespmem:s14+$0x70];
	_ =	sdelay $0x7  }
0x37: {  	[tilespmem:v2+s10+$0x0] =	vst.idx.add.f32.msk $0xffff, v1  }
0x38: {  	v2 =	vld [tilespmem:s14+$0x2870];
	_ =	sdelay $0x2  }
0x39: {  	p0 =	sne.s32 s13, $0x9E00  }
.Ltmp1:
0x3a: {  	_ = 	snop;
	(pc) =	sbr.rel @p0 .LBB2_4-.Ltmp1, $2  }
0x3b: {  	_ =	sdelay $0x2  }
0x3c: {  	s13 =	sadd.s32 $0x200, s13;
	[tilespmem:v2+s11+$0x0] =	vst.idx.add.f32.msk $0xffff, v1  }
0x3d: {  	[hbm4b:s5+s2] =	stream.linear.scatter [tilespmem:s10], [sflag:$0x1], $0x2800, $0x38;
	[tilespmem:$0xA000] =	vst v63  }
0x3e: {  	s12 =	sadd.s32 $0x1, s12;
	_ =	swait.ge [sflag:s8], $0x2800  }
0x3f: {  	p0 =	sne.s32 s12, s7;
	[sflag:s8] =	ssyncset.done $0x0  }
.Ltmp2:
0x40: {  	[sflag:s8] =	ssyncadd.s32 $0xFFFFD800;
	(pc) =	sbr.rel @p0 .LBB2_1-.Ltmp2, $4  }
0x41: {  	[hbm4b:s6+s2] =	stream.linear.scatter [tilespmem:s11], [sflag:$0x1], $0x2800, $0x38;
	[tilespmem:$0xA000] =	vst v63  }
0x42: {  	_ =	swait.ge [sflag:s8], $0x2800  }
0x43: {  	[sflag:s8] =	ssyncset.done $0x0  }
0x44: {  	[sflag:s8] =	ssyncadd.s32 $0xFFFFD800  }
0x45: {  	_ =	sfence.sel $0x180000  }
0x46: {  	[bflag:$0x0] =	sbarrier.arrive $0xFFFF  }
0x47: {  	p0 =	sne.s32 s0, $0x0;
	_ =	strace $0x90000047  }
0x48: {  	s0 =	sadd.s32 @!p0 $0x100000, s1;
	[bflag:$0x2] =	sbarrier.arrive $0xFFFF  }
0x49: {  	[sflag:s0] =	ssyncadd.tile.s32 @!p0 $0x1;
	_ =	shalt  }
.Lfunc_end2:
_tile_overlayer_lowered:
.L_overlay_start_2:
0x4a: {  	(tag) =	ssettag $0x2  }
0x4b: {  	s0 =	rddreg [dreg:$0x0];
	s2 =	stileid.u32  }
0x4c: {  	s1 =	rddreg [dreg:$0x1];
	p0 =	sne.s32 s2, $0x0  }
0x4d: {  	s3 =	rddreg [dreg:$0x2];
	[bflag:$0x3] =	sbarrier.arrive $0xFFFF;
	s2 =	simm.s32 @!p0 $0x1C01  }
0x4e: {  	[timem:s3], [sflag:s2] =	dma.local @!p0 [hbm:s0], s1  }
0x4f: {  	s0 =	simm.s32 @!p0 $0x1  }
0x50: {  	_ =	swait.ge @!p0 [sflag:s0], s1  }
0x51: {  	s1 =	ssub.s32 @!p0 $0x0, s1;
	[sflag:s0] =	ssyncset.done @!p0 $0x0  }
0x52: {  	[sflag:s0] =	ssyncadd.s32 @!p0 s1  }
0x53: {  	[bflag:$0x3] =	sbarrier.arrive $0xFFFF  }
0x54: {  	_ =	shalt  }

</sc_bundles>
